<compile_context>
chip_gen: v7x
topology: tpu7x:2x2x1
jax: 0.10.2.dev20260603
libtpu: 0.0.44.dev20260713+nightly
codegen_flags: <defaults>
</compile_context>

<pallas_src>
import functools

import jax
import jax.numpy as jnp
from jax import lax
from jax.experimental import pallas as pl
from jax.experimental.pallas import tpu as pltpu
from jax.experimental.pallas import tpu_sc as plsc

_V = 1000
_B = 16384
_NC = 2
_NS = 16
_NW = _NC * _NS
_LANES = 16
_NG = 4
_GW = 128


def _lse_body(embed_ref, lse_ref):
    e = embed_ref[...]
    m = jnp.max(e, axis=1)
    s = jnp.sum(jnp.exp(e - m[:, None]), axis=1)
    lse_ref[...] = m + jnp.log(s)


def _loss_body(part_ref, loss_ref):
    loss_ref[...] = (jnp.sum(part_ref[...]) / _B).reshape(1, 1)


_BB = 1024


def _mmt_body(x_ref, emb_ref, out_ref):
    iot = lax.broadcasted_iota(jnp.int32, (_V, _BB), 0)
    oh = (iot == x_ref[0]).astype(jnp.bfloat16)
    out_ref[...] = lax.dot_general(
        emb_ref[...], oh, (((0,), (0,)), ((), ())),
        preferred_element_type=jnp.float32)


def _loss_gather_body(fidx_hbm, x4_hbm, eflat_hbm, lse_hbm, part_hbm,
                      fidx_v, x4_v, pts_v, lsex_v, acc_v, psem):
    cid = lax.axis_index("c")
    sid = lax.axis_index("s")
    wid = sid * _NC + cid

    pltpu.sync_copy(fidx_hbm.at[wid], fidx_v)
    pltpu.sync_copy(x4_hbm.at[wid], x4_v)

    pops = []
    for j in range(_NG):
        pops.append(pltpu.async_copy(
            eflat_hbm.at[fidx_v.at[j]], pts_v.at[j], psem))
        pops.append(pltpu.async_copy(
            lse_hbm.at[x4_v.at[j]], lsex_v.at[j], psem))
    for op in pops:
        op.wait()

    acc = jnp.zeros((_LANES,), jnp.float32)
    for j in range(_NG):
        for g in range(_GW // _LANES):
            pts = pts_v[j, pl.ds(g * _LANES, _LANES)]
            lsx = lsex_v[j, pl.ds(g * _LANES, _LANES)]
            acc = acc + (lsx - pts)

    acc_v[...] = acc
    pltpu.sync_copy(acc_v, part_hbm.at[wid])


_CALL_CACHE = {}


def _get_calls():
    if not _CALL_CACHE:
        mesh = plsc.VectorSubcoreMesh(core_axis_name="c",
                                      subcore_axis_name="s")
        _CALL_CACHE["loss"] = functools.partial(
            pl.kernel,
            out_type=jax.ShapeDtypeStruct((_NW, _LANES), jnp.float32),
            mesh=mesh,
            compiler_params=pltpu.CompilerParams(use_tc_tiling_on_sc=False,
                                                 needs_layout_passes=False),
            scratch_types=[
                pltpu.VMEM((_NG, _GW), jnp.int32),
                pltpu.VMEM((_NG, _GW), jnp.int32),
                pltpu.VMEM((_NG, _GW), jnp.float32),
                pltpu.VMEM((_NG, _GW), jnp.float32),
                pltpu.VMEM((_LANES,), jnp.float32),
                pltpu.SemaphoreType.DMA,
            ],
        )(_loss_gather_body)
    return _CALL_CACHE


def kernel(x, targets, embed):
    x = x.astype(jnp.int32)
    targets = targets.astype(jnp.int32)

    lse = pl.pallas_call(
        _lse_body,
        out_shape=jax.ShapeDtypeStruct((_V,), jnp.float32),
    )(embed)

    calls = _get_calls()

    embed_bf = embed.astype(jnp.bfloat16)
    x3m = x.reshape(_B // _BB, 1, _BB)
    pt = pl.pallas_call(
        _mmt_body,
        out_shape=jax.ShapeDtypeStruct((_V, _B), jnp.float32),
        grid=(_B // _BB,),
        in_specs=[
            pl.BlockSpec((1, 1, _BB), lambda i: (i, 0, 0)),
            pl.BlockSpec((_V, _V), lambda i: (0, 0)),
        ],
        out_specs=pl.BlockSpec((_V, _BB), lambda i: (0, i)),
    )(x3m, embed_bf)
    logits = pt.T

    x4 = x.reshape(_NW, _NG, _GW)
    fidx = (x * _V + targets).reshape(_NW, _NG, _GW)
    eflat = embed.reshape(-1)
    partials = calls["loss"](fidx, x4, eflat, lse)

    loss = pl.pallas_call(
        _loss_body,
        out_shape=jax.ShapeDtypeStruct((1, 1), jnp.float32),
    )(partials)[0, 0]

    return logits, loss

# --- scband reference (transcript-rebuilt; emitter-appended) ---
"""Pipeline reference for scband-bigram-name-model-21887153341519 (READ-ONLY COPY).

The authoritative reference and input builder live on the scoring server;
editing this copy changes nothing except your own understanding.
"""

import jax, jax.numpy as jnp
import numpy as np

VOCAB = 1000
BATCH = 16384

def setup_inputs(seed: int = 0) -> dict:
    key = jax.random.key(seed)
    k1, k2, k3 = jax.random.split(key, 3)
    x = jax.random.randint(k1, (BATCH,), 0, VOCAB, dtype=jnp.int64 if jax.config.jax_enable_x64 else jnp.int32)
    targets = jax.random.randint(k2, (BATCH,), 0, VOCAB, dtype=jnp.int64 if jax.config.jax_enable_x64 else jnp.int32)
    embed = jax.random.normal(k3, (VOCAB, VOCAB), dtype=jnp.float32) * 0.02
    return {"x": x, "targets": targets, "embed": embed}

def reference(x, targets, embed):
    # logits = self.embed(x)  -> embedding gather
    logits = jnp.take(embed, x, axis=0)  # [B, V]
    # loss = F.cross_entropy(logits, targets)  (mean reduction)
    logprobs = jax.nn.log_softmax(logits, axis=-1)
    nll = -jnp.take_along_axis(logprobs, targets[:, None], axis=1)[:, 0]
    loss = jnp.mean(nll)
    return (logits, loss)

if __name__ == "__main__":
    import jax
    _d = setup_inputs()
    print(jax.jit(kernel)(*tuple(_d.values())))

</pallas_src>

<mosaic_0001>
#map = affine_map<(d0, d1) -> (0, 0, 0)>
#map1 = affine_map<(d0, d1) -> (0)>
#map2 = affine_map<(d0, d1) -> (0, 0)>
module attributes {stable_mosaic.version = 14 : i64} {
  func.func @_loss_gather_body(%arg0: i32, %arg1: i32, %arg2: memref<32x4x128xi32, #tpu.memory_space<hbm>>, %arg3: memref<32x4x128xi32, #tpu.memory_space<hbm>>, %arg4: memref<1000000xf32, #tpu.memory_space<hbm>>, %arg5: memref<1000xf32, #tpu.memory_space<hbm>>, %arg6: memref<32x16xf32, #tpu.memory_space<hbm>>, %arg7: memref<4x128xi32, #tpu.memory_space<vmem>>, %arg8: memref<4x128xi32, #tpu.memory_space<vmem>>, %arg9: memref<4x128xf32, #tpu.memory_space<vmem>>, %arg10: memref<4x128xf32, #tpu.memory_space<vmem>>, %arg11: memref<16xf32, #tpu.memory_space<vmem>>, %arg12: memref<!tpu.dma_semaphore, #tpu.memory_space<semaphore_mem>>) attributes {dimension_semantics = [#tpu.dimension_semantics<core_parallel>, #tpu.dimension_semantics<subcore_parallel>], iteration_bounds = array<i64: 2, 16>, scalar_prefetch = 0 : i64, scratch_operands = 6 : i64, tpu.core_type = #tpu.core_type<sc_vector_subcore>, window_params = [{transform_indices = #map}, {transform_indices = #map}, {transform_indices = #map1}, {transform_indices = #map1}, {transform_indices = #map2}]} {
    %mul3A = arith.constant 2 : i32
    %mul3A_0 = arith.muli %arg1, %mul3A : i32
    %add3A = arith.addi %mul3A_0, %arg0 : i32
    "tpu.region"() ({
      %run_scoped3A = tpu.sem_alloc : memref<!tpu.dma_semaphore, #tpu.memory_space<semaphore_mem>>
      %dma_start3A_479 = arith.constant 0 : i32
      %dma_start3A_480 = arith.constant 0 : i32
      %dma_start3A_481 = tpu.memref_slice %arg2[%add3A, %dma_start3A_479, %dma_start3A_480] : memref<32x4x128xi32, #tpu.memory_space<hbm>> -> memref<1x4x128xi32, #tpu.memory_space<hbm>>
      %dma_start3A_482 = tpu.memref_squeeze %dma_start3A_481 : memref<1x4x128xi32, #tpu.memory_space<hbm>> -> memref<4x128xi32, #tpu.memory_space<hbm>>
      %dma_start3A_483 = arith.constant 0 : i32
      %dma_start3A_484 = arith.constant 0 : i32
      %dma_start3A_485 = tpu.memref_slice %arg2[%add3A, %dma_start3A_483, %dma_start3A_484] : memref<32x4x128xi32, #tpu.memory_space<hbm>> -> memref<1x4x128xi32, #tpu.memory_space<hbm>>
      %dma_start3A_486 = tpu.memref_squeeze %dma_start3A_485 : memref<1x4x128xi32, #tpu.memory_space<hbm>> -> memref<4x128xi32, #tpu.memory_space<hbm>>
      tpu.enqueue_dma source(%dma_start3A_486 : memref<4x128xi32, #tpu.memory_space<hbm>>) target(%arg7 : memref<4x128xi32, #tpu.memory_space<vmem>>) target_semaphore(%run_scoped3A : memref<!tpu.dma_semaphore, #tpu.memory_space<semaphore_mem>>)
      %dma_wait3A_487 = arith.constant 0 : i32
      %dma_wait3A_488 = arith.constant 0 : i32
      %dma_wait3A_489 = tpu.memref_slice %arg2[%add3A, %dma_wait3A_487, %dma_wait3A_488] : memref<32x4x128xi32, #tpu.memory_space<hbm>> -> memref<1x4x128xi32, #tpu.memory_space<hbm>>
      %dma_wait3A_490 = tpu.memref_squeeze %dma_wait3A_489 : memref<1x4x128xi32, #tpu.memory_space<hbm>> -> memref<4x128xi32, #tpu.memory_space<hbm>>
      %dma_wait3A_491 = arith.constant 0 : i32
      %dma_wait3A_492 = arith.constant 0 : i32
      %dma_wait3A_493 = tpu.memref_slice %arg2[%add3A, %dma_wait3A_491, %dma_wait3A_492] : memref<32x4x128xi32, #tpu.memory_space<hbm>> -> memref<1x4x128xi32, #tpu.memory_space<hbm>>
      %dma_wait3A_494 = tpu.memref_squeeze %dma_wait3A_493 : memref<1x4x128xi32, #tpu.memory_space<hbm>> -> memref<4x128xi32, #tpu.memory_space<hbm>>
      tpu.wait_dma2 semaphore(%run_scoped3A : memref<!tpu.dma_semaphore, #tpu.memory_space<semaphore_mem>>) src(%dma_wait3A_494 : memref<4x128xi32, #tpu.memory_space<hbm>>) dst(%arg7 : memref<4x128xi32, #tpu.memory_space<vmem>>)
      tpu.yield
    }) : () -> ()
    "tpu.region"() ({
      %run_scoped3A = tpu.sem_alloc : memref<!tpu.dma_semaphore, #tpu.memory_space<semaphore_mem>>
      %dma_start3A_479 = arith.constant 0 : i32
      %dma_start3A_480 = arith.constant 0 : i32
      %dma_start3A_481 = tpu.memref_slice %arg3[%add3A, %dma_start3A_479, %dma_start3A_480] : memref<32x4x128xi32, #tpu.memory_space<hbm>> -> memref<1x4x128xi32, #tpu.memory_space<hbm>>
      %dma_start3A_482 = tpu.memref_squeeze %dma_start3A_481 : memref<1x4x128xi32, #tpu.memory_space<hbm>> -> memref<4x128xi32, #tpu.memory_space<hbm>>
      %dma_start3A_483 = arith.constant 0 : i32
      %dma_start3A_484 = arith.constant 0 : i32
      %dma_start3A_485 = tpu.memref_slice %arg3[%add3A, %dma_start3A_483, %dma_start3A_484] : memref<32x4x128xi32, #tpu.memory_space<hbm>> -> memref<1x4x128xi32, #tpu.memory_space<hbm>>
      %dma_start3A_486 = tpu.memref_squeeze %dma_start3A_485 : memref<1x4x128xi32, #tpu.memory_space<hbm>> -> memref<4x128xi32, #tpu.memory_space<hbm>>
      tpu.enqueue_dma source(%dma_start3A_486 : memref<4x128xi32, #tpu.memory_space<hbm>>) target(%arg8 : memref<4x128xi32, #tpu.memory_space<vmem>>) target_semaphore(%run_scoped3A : memref<!tpu.dma_semaphore, #tpu.memory_space<semaphore_mem>>)
      %dma_wait3A_487 = arith.constant 0 : i32
      %dma_wait3A_488 = arith.constant 0 : i32
      %dma_wait3A_489 = tpu.memref_slice %arg3[%add3A, %dma_wait3A_487, %dma_wait3A_488] : memref<32x4x128xi32, #tpu.memory_space<hbm>> -> memref<1x4x128xi32, #tpu.memory_space<hbm>>
      %dma_wait3A_490 = tpu.memref_squeeze %dma_wait3A_489 : memref<1x4x128xi32, #tpu.memory_space<hbm>> -> memref<4x128xi32, #tpu.memory_space<hbm>>
      %dma_wait3A_491 = arith.constant 0 : i32
      %dma_wait3A_492 = arith.constant 0 : i32
      %dma_wait3A_493 = tpu.memref_slice %arg3[%add3A, %dma_wait3A_491, %dma_wait3A_492] : memref<32x4x128xi32, #tpu.memory_space<hbm>> -> memref<1x4x128xi32, #tpu.memory_space<hbm>>
      %dma_wait3A_494 = tpu.memref_squeeze %dma_wait3A_493 : memref<1x4x128xi32, #tpu.memory_space<hbm>> -> memref<4x128xi32, #tpu.memory_space<hbm>>
      tpu.wait_dma2 semaphore(%run_scoped3A : memref<!tpu.dma_semaphore, #tpu.memory_space<semaphore_mem>>) src(%dma_wait3A_494 : memref<4x128xi32, #tpu.memory_space<hbm>>) dst(%arg8 : memref<4x128xi32, #tpu.memory_space<vmem>>)
      tpu.yield
    }) : () -> ()
    %dma_start3A = arith.constant 0 : i32
    %dma_start3A_1 = arith.constant 0 : i32
    %dma_start3A_2 = arith.constant 0 : i32
    %dma_start3A_3 = tpu.memref_slice %arg9[%dma_start3A_1, %dma_start3A_2] : memref<4x128xf32, #tpu.memory_space<vmem>> -> memref<1x128xf32, #tpu.memory_space<vmem>>
    %dma_start3A_4 = tpu.memref_squeeze %dma_start3A_3 : memref<1x128xf32, #tpu.memory_space<vmem>> -> memref<128xf32, #tpu.memory_space<vmem>>
    %dma_start3A_5 = arith.constant 0 : i32
    %dma_start3A_6 = tpu.memref_slice %arg7[%dma_start3A, %dma_start3A_5] : memref<4x128xi32, #tpu.memory_space<vmem>> -> memref<1x128xi32, #tpu.memory_space<vmem>>
    %dma_start3A_7 = tpu.memref_squeeze %dma_start3A_6 : memref<1x128xi32, #tpu.memory_space<vmem>> -> memref<128xi32, #tpu.memory_space<vmem>>
    %dma_start3A_8 = arith.constant 0 : i32
    %dma_start3A_9 = tpu.memref_slice %arg4[%dma_start3A_8] : memref<1000000xf32, #tpu.memory_space<hbm>> -> memref<1000000xf32, #tpu.memory_space<hbm>>
    tpu.enqueue_indirect_dma source(%dma_start3A_9 : memref<1000000xf32, #tpu.memory_space<hbm>>) target(%dma_start3A_4 : memref<128xf32, #tpu.memory_space<vmem>>) offsets(%dma_start3A_7 : memref<128xi32, #tpu.memory_space<vmem>>) semaphore(%arg12 : memref<!tpu.dma_semaphore, #tpu.memory_space<semaphore_mem>>)
    %dma_start3A_10 = arith.constant 0 : i32
    %dma_start3A_11 = arith.constant 0 : i32
    %dma_start3A_12 = arith.constant 0 : i32
    %dma_start3A_13 = tpu.memref_slice %arg10[%dma_start3A_11, %dma_start3A_12] : memref<4x128xf32, #tpu.memory_space<vmem>> -> memref<1x128xf32, #tpu.memory_space<vmem>>
    %dma_start3A_14 = tpu.memref_squeeze %dma_start3A_13 : memref<1x128xf32, #tpu.memory_space<vmem>> -> memref<128xf32, #tpu.memory_space<vmem>>
    %dma_start3A_15 = arith.constant 0 : i32
    %dma_start3A_16 = tpu.memref_slice %arg8[%dma_start3A_10, %dma_start3A_15] : memref<4x128xi32, #tpu.memory_space<vmem>> -> memref<1x128xi32, #tpu.memory_space<vmem>>
    %dma_start3A_17 = tpu.memref_squeeze %dma_start3A_16 : memref<1x128xi32, #tpu.memory_space<vmem>> -> memref<128xi32, #tpu.memory_space<vmem>>
    %dma_start3A_18 = arith.constant 0 : i32
    %dma_start3A_19 = tpu.memref_slice %arg5[%dma_start3A_18] : memref<1000xf32, #tpu.memory_space<hbm>> -> memref<1000xf32, #tpu.memory_space<hbm>>
    tpu.enqueue_indirect_dma source(%dma_start3A_19 : memref<1000xf32, #tpu.memory_space<hbm>>) target(%dma_start3A_14 : memref<128xf32, #tpu.memory_space<vmem>>) offsets(%dma_start3A_17 : memref<128xi32, #tpu.memory_space<vmem>>) semaphore(%arg12 : memref<!tpu.dma_semaphore, #tpu.memory_space<semaphore_mem>>)
    %dma_start3A_20 = arith.constant 1 : i32
    %dma_start3A_21 = arith.constant 1 : i32
    %dma_start3A_22 = arith.constant 0 : i32
    %dma_start3A_23 = tpu.memref_slice %arg9[%dma_start3A_21, %dma_start3A_22] : memref<4x128xf32, #tpu.memory_space<vmem>> -> memref<1x128xf32, #tpu.memory_space<vmem>>
    %dma_start3A_24 = tpu.memref_squeeze %dma_start3A_23 : memref<1x128xf32, #tpu.memory_space<vmem>> -> memref<128xf32, #tpu.memory_space<vmem>>
    %dma_start3A_25 = arith.constant 0 : i32
    %dma_start3A_26 = tpu.memref_slice %arg7[%dma_start3A_20, %dma_start3A_25] : memref<4x128xi32, #tpu.memory_space<vmem>> -> memref<1x128xi32, #tpu.memory_space<vmem>>
    %dma_start3A_27 = tpu.memref_squeeze %dma_start3A_26 : memref<1x128xi32, #tpu.memory_space<vmem>> -> memref<128xi32, #tpu.memory_space<vmem>>
    %dma_start3A_28 = arith.constant 0 : i32
    %dma_start3A_29 = tpu.memref_slice %arg4[%dma_start3A_28] : memref<1000000xf32, #tpu.memory_space<hbm>> -> memref<1000000xf32, #tpu.memory_space<hbm>>
    tpu.enqueue_indirect_dma source(%dma_start3A_29 : memref<1000000xf32, #tpu.memory_space<hbm>>) target(%dma_start3A_24 : memref<128xf32, #tpu.memory_space<vmem>>) offsets(%dma_start3A_27 : memref<128xi32, #tpu.memory_space<vmem>>) semaphore(%arg12 : memref<!tpu.dma_semaphore, #tpu.memory_space<semaphore_mem>>)
    %dma_start3A_30 = arith.constant 1 : i32
    %dma_start3A_31 = arith.constant 1 : i32
    %dma_start3A_32 = arith.constant 0 : i32
    %dma_start3A_33 = tpu.memref_slice %arg10[%dma_start3A_31, %dma_start3A_32] : memref<4x128xf32, #tpu.memory_space<vmem>> -> memref<1x128xf32, #tpu.memory_space<vmem>>
    %dma_start3A_34 = tpu.memref_squeeze %dma_start3A_33 : memref<1x128xf32, #tpu.memory_space<vmem>> -> memref<128xf32, #tpu.memory_space<vmem>>
    %dma_start3A_35 = arith.constant 0 : i32
    %dma_start3A_36 = tpu.memref_slice %arg8[%dma_start3A_30, %dma_start3A_35] : memref<4x128xi32, #tpu.memory_space<vmem>> -> memref<1x128xi32, #tpu.memory_space<vmem>>
    %dma_start3A_37 = tpu.memref_squeeze %dma_start3A_36 : memref<1x128xi32, #tpu.memory_space<vmem>> -> memref<128xi32, #tpu.memory_space<vmem>>
    %dma_start3A_38 = arith.constant 0 : i32
    %dma_start3A_39 = tpu.memref_slice %arg5[%dma_start3A_38] : memref<1000xf32, #tpu.memory_space<hbm>> -> memref<1000xf32, #tpu.memory_space<hbm>>
    tpu.enqueue_indirect_dma source(%dma_start3A_39 : memref<1000xf32, #tpu.memory_space<hbm>>) target(%dma_start3A_34 : memref<128xf32, #tpu.memory_space<vmem>>) offsets(%dma_start3A_37 : memref<128xi32, #tpu.memory_space<vmem>>) semaphore(%arg12 : memref<!tpu.dma_semaphore, #tpu.memory_space<semaphore_mem>>)
    %dma_start3A_40 = arith.constant 2 : i32
    %dma_start3A_41 = arith.constant 2 : i32
    %dma_start3A_42 = arith.constant 0 : i32
    %dma_start3A_43 = tpu.memref_slice %arg9[%dma_start3A_41, %dma_start3A_42] : memref<4x128xf32, #tpu.memory_space<vmem>> -> memref<1x128xf32, #tpu.memory_space<vmem>>
    %dma_start3A_44 = tpu.memref_squeeze %dma_start3A_43 : memref<1x128xf32, #tpu.memory_space<vmem>> -> memref<128xf32, #tpu.memory_space<vmem>>
    %dma_start3A_45 = arith.constant 0 : i32
    %dma_start3A_46 = tpu.memref_slice %arg7[%dma_start3A_40, %dma_start3A_45] : memref<4x128xi32, #tpu.memory_space<vmem>> -> memref<1x128xi32, #tpu.memory_space<vmem>>
    %dma_start3A_47 = tpu.memref_squeeze %dma_start3A_46 : memref<1x128xi32, #tpu.memory_space<vmem>> -> memref<128xi32, #tpu.memory_space<vmem>>
    %dma_start3A_48 = arith.constant 0 : i32
    %dma_start3A_49 = tpu.memref_slice %arg4[%dma_start3A_48] : memref<1000000xf32, #tpu.memory_space<hbm>> -> memref<1000000xf32, #tpu.memory_space<hbm>>
    tpu.enqueue_indirect_dma source(%dma_start3A_49 : memref<1000000xf32, #tpu.memory_space<hbm>>) target(%dma_start3A_44 : memref<128xf32, #tpu.memory_space<vmem>>) offsets(%dma_start3A_47 : memref<128xi32, #tpu.memory_space<vmem>>) semaphore(%arg12 : memref<!tpu.dma_semaphore, #tpu.memory_space<semaphore_mem>>)
    %dma_start3A_50 = arith.constant 2 : i32
    %dma_start3A_51 = arith.constant 2 : i32
    %dma_start3A_52 = arith.constant 0 : i32
    %dma_start3A_53 = tpu.memref_slice %arg10[%dma_start3A_51, %dma_start3A_52] : memref<4x128xf32, #tpu.memory_space<vmem>> -> memref<1x128xf32, #tpu.memory_space<vmem>>
    %dma_start3A_54 = tpu.memref_squeeze %dma_start3A_53 : memref<1x128xf32, #tpu.memory_space<vmem>> -> memref<128xf32, #tpu.memory_space<vmem>>
    %dma_start3A_55 = arith.constant 0 : i32
    %dma_start3A_56 = tpu.memref_slice %arg8[%dma_start3A_50, %dma_start3A_55] : memref<4x128xi32, #tpu.memory_space<vmem>> -> memref<1x128xi32, #tpu.memory_space<vmem>>
    %dma_start3A_57 = tpu.memref_squeeze %dma_start3A_56 : memref<1x128xi32, #tpu.memory_space<vmem>> -> memref<128xi32, #tpu.memory_space<vmem>>
    %dma_start3A_58 = arith.constant 0 : i32
    %dma_start3A_59 = tpu.memref_slice %arg5[%dma_start3A_58] : memref<1000xf32, #tpu.memory_space<hbm>> -> memref<1000xf32, #tpu.memory_space<hbm>>
    tpu.enqueue_indirect_dma source(%dma_start3A_59 : memref<1000xf32, #tpu.memory_space<hbm>>) target(%dma_start3A_54 : memref<128xf32, #tpu.memory_space<vmem>>) offsets(%dma_start3A_57 : memref<128xi32, #tpu.memory_space<vmem>>) semaphore(%arg12 : memref<!tpu.dma_semaphore, #tpu.memory_space<semaphore_mem>>)
    %dma_start3A_60 = arith.constant 3 : i32
    %dma_start3A_61 = arith.constant 3 : i32
    %dma_start3A_62 = arith.constant 0 : i32
    %dma_start3A_63 = tpu.memref_slice %arg9[%dma_start3A_61, %dma_start3A_62] : memref<4x128xf32, #tpu.memory_space<vmem>> -> memref<1x128xf32, #tpu.memory_space<vmem>>
    %dma_start3A_64 = tpu.memref_squeeze %dma_start3A_63 : memref<1x128xf32, #tpu.memory_space<vmem>> -> memref<128xf32, #tpu.memory_space<vmem>>
    %dma_start3A_65 = arith.constant 0 : i32
    %dma_start3A_66 = tpu.memref_slice %arg7[%dma_start3A_60, %dma_start3A_65] : memref<4x128xi32, #tpu.memory_space<vmem>> -> memref<1x128xi32, #tpu.memory_space<vmem>>
    %dma_start3A_67 = tpu.memref_squeeze %dma_start3A_66 : memref<1x128xi32, #tpu.memory_space<vmem>> -> memref<128xi32, #tpu.memory_space<vmem>>
    %dma_start3A_68 = arith.constant 0 : i32
    %dma_start3A_69 = tpu.memref_slice %arg4[%dma_start3A_68] : memref<1000000xf32, #tpu.memory_space<hbm>> -> memref<1000000xf32, #tpu.memory_space<hbm>>
    tpu.enqueue_indirect_dma source(%dma_start3A_69 : memref<1000000xf32, #tpu.memory_space<hbm>>) target(%dma_start3A_64 : memref<128xf32, #tpu.memory_space<vmem>>) offsets(%dma_start3A_67 : memref<128xi32, #tpu.memory_space<vmem>>) semaphore(%arg12 : memref<!tpu.dma_semaphore, #tpu.memory_space<semaphore_mem>>)
    %dma_start3A_70 = arith.constant 3 : i32
    %dma_start3A_71 = arith.constant 3 : i32
    %dma_start3A_72 = arith.constant 0 : i32
    %dma_start3A_73 = tpu.memref_slice %arg10[%dma_start3A_71, %dma_start3A_72] : memref<4x128xf32, #tpu.memory_space<vmem>> -> memref<1x128xf32, #tpu.memory_space<vmem>>
    %dma_start3A_74 = tpu.memref_squeeze %dma_start3A_73 : memref<1x128xf32, #tpu.memory_space<vmem>> -> memref<128xf32, #tpu.memory_space<vmem>>
    %dma_start3A_75 = arith.constant 0 : i32
    %dma_start3A_76 = tpu.memref_slice %arg8[%dma_start3A_70, %dma_start3A_75] : memref<4x128xi32, #tpu.memory_space<vmem>> -> memref<1x128xi32, #tpu.memory_space<vmem>>
    %dma_start3A_77 = tpu.memref_squeeze %dma_start3A_76 : memref<1x128xi32, #tpu.memory_space<vmem>> -> memref<128xi32, #tpu.memory_space<vmem>>
    %dma_start3A_78 = arith.constant 0 : i32
    %dma_start3A_79 = tpu.memref_slice %arg5[%dma_start3A_78] : memref<1000xf32, #tpu.memory_space<hbm>> -> memref<1000xf32, #tpu.memory_space<hbm>>
    tpu.enqueue_indirect_dma source(%dma_start3A_79 : memref<1000xf32, #tpu.memory_space<hbm>>) target(%dma_start3A_74 : memref<128xf32, #tpu.memory_space<vmem>>) offsets(%dma_start3A_77 : memref<128xi32, #tpu.memory_space<vmem>>) semaphore(%arg12 : memref<!tpu.dma_semaphore, #tpu.memory_space<semaphore_mem>>)
    %dma_wait3A = arith.constant 0 : i32
    %dma_wait3A_80 = arith.constant 0 : i32
    %dma_wait3A_81 = arith.constant 0 : i32
    %dma_wait3A_82 = tpu.memref_slice %arg9[%dma_wait3A_80, %dma_wait3A_81] : memref<4x128xf32, #tpu.memory_space<vmem>> -> memref<1x128xf32, #tpu.memory_space<vmem>>
    %dma_wait3A_83 = tpu.memref_squeeze %dma_wait3A_82 : memref<1x128xf32, #tpu.memory_space<vmem>> -> memref<128xf32, #tpu.memory_space<vmem>>
    %dma_wait3A_84 = arith.constant 0 : i32
    %dma_wait3A_85 = tpu.memref_slice %arg7[%dma_wait3A, %dma_wait3A_84] : memref<4x128xi32, #tpu.memory_space<vmem>> -> memref<1x128xi32, #tpu.memory_space<vmem>>
    %dma_wait3A_86 = tpu.memref_squeeze %dma_wait3A_85 : memref<1x128xi32, #tpu.memory_space<vmem>> -> memref<128xi32, #tpu.memory_space<vmem>>
    %dma_wait3A_87 = arith.constant 0 : i32
    %dma_wait3A_88 = tpu.memref_slice %arg4[%dma_wait3A_87] : memref<1000000xf32, #tpu.memory_space<hbm>> -> memref<1000000xf32, #tpu.memory_space<hbm>>
    tpu.wait_indirect_dma semaphore(%arg12 : memref<!tpu.dma_semaphore, #tpu.memory_space<semaphore_mem>>) src(%dma_wait3A_88 : memref<1000000xf32, #tpu.memory_space<hbm>>) dst(%dma_wait3A_83 : memref<128xf32, #tpu.memory_space<vmem>>)
    %dma_wait3A_89 = arith.constant 0 : i32
    %dma_wait3A_90 = arith.constant 0 : i32
    %dma_wait3A_91 = arith.constant 0 : i32
    %dma_wait3A_92 = tpu.memref_slice %arg10[%dma_wait3A_90, %dma_wait3A_91] : memref<4x128xf32, #tpu.memory_space<vmem>> -> memref<1x128xf32, #tpu.memory_space<vmem>>
    %dma_wait3A_93 = tpu.memref_squeeze %dma_wait3A_92 : memref<1x128xf32, #tpu.memory_space<vmem>> -> memref<128xf32, #tpu.memory_space<vmem>>
    %dma_wait3A_94 = arith.constant 0 : i32
    %dma_wait3A_95 = tpu.memref_slice %arg8[%dma_wait3A_89, %dma_wait3A_94] : memref<4x128xi32, #tpu.memory_space<vmem>> -> memref<1x128xi32, #tpu.memory_space<vmem>>
    %dma_wait3A_96 = tpu.memref_squeeze %dma_wait3A_95 : memref<1x128xi32, #tpu.memory_space<vmem>> -> memref<128xi32, #tpu.memory_space<vmem>>
    %dma_wait3A_97 = arith.constant 0 : i32
    %dma_wait3A_98 = tpu.memref_slice %arg5[%dma_wait3A_97] : memref<1000xf32, #tpu.memory_space<hbm>> -> memref<1000xf32, #tpu.memory_space<hbm>>
    tpu.wait_indirect_dma semaphore(%arg12 : memref<!tpu.dma_semaphore, #tpu.memory_space<semaphore_mem>>) src(%dma_wait3A_98 : memref<1000xf32, #tpu.memory_space<hbm>>) dst(%dma_wait3A_93 : memref<128xf32, #tpu.memory_space<vmem>>)
    %dma_wait3A_99 = arith.constant 1 : i32
    %dma_wait3A_100 = arith.constant 1 : i32
    %dma_wait3A_101 = arith.constant 0 : i32
    %dma_wait3A_102 = tpu.memref_slice %arg9[%dma_wait3A_100, %dma_wait3A_101] : memref<4x128xf32, #tpu.memory_space<vmem>> -> memref<1x128xf32, #tpu.memory_space<vmem>>
    %dma_wait3A_103 = tpu.memref_squeeze %dma_wait3A_102 : memref<1x128xf32, #tpu.memory_space<vmem>> -> memref<128xf32, #tpu.memory_space<vmem>>
    %dma_wait3A_104 = arith.constant 0 : i32
    %dma_wait3A_105 = tpu.memref_slice %arg7[%dma_wait3A_99, %dma_wait3A_104] : memref<4x128xi32, #tpu.memory_space<vmem>> -> memref<1x128xi32, #tpu.memory_space<vmem>>
    %dma_wait3A_106 = tpu.memref_squeeze %dma_wait3A_105 : memref<1x128xi32, #tpu.memory_space<vmem>> -> memref<128xi32, #tpu.memory_space<vmem>>
    %dma_wait3A_107 = arith.constant 0 : i32
    %dma_wait3A_108 = tpu.memref_slice %arg4[%dma_wait3A_107] : memref<1000000xf32, #tpu.memory_space<hbm>> -> memref<1000000xf32, #tpu.memory_space<hbm>>
    tpu.wait_indirect_dma semaphore(%arg12 : memref<!tpu.dma_semaphore, #tpu.memory_space<semaphore_mem>>) src(%dma_wait3A_108 : memref<1000000xf32, #tpu.memory_space<hbm>>) dst(%dma_wait3A_103 : memref<128xf32, #tpu.memory_space<vmem>>)
    %dma_wait3A_109 = arith.constant 1 : i32
    %dma_wait3A_110 = arith.constant 1 : i32
    %dma_wait3A_111 = arith.constant 0 : i32
    %dma_wait3A_112 = tpu.memref_slice %arg10[%dma_wait3A_110, %dma_wait3A_111] : memref<4x128xf32, #tpu.memory_space<vmem>> -> memref<1x128xf32, #tpu.memory_space<vmem>>
    %dma_wait3A_113 = tpu.memref_squeeze %dma_wait3A_112 : memref<1x128xf32, #tpu.memory_space<vmem>> -> memref<128xf32, #tpu.memory_space<vmem>>
    %dma_wait3A_114 = arith.constant 0 : i32
    %dma_wait3A_115 = tpu.memref_slice %arg8[%dma_wait3A_109, %dma_wait3A_114] : memref<4x128xi32, #tpu.memory_space<vmem>> -> memref<1x128xi32, #tpu.memory_space<vmem>>
    %dma_wait3A_116 = tpu.memref_squeeze %dma_wait3A_115 : memref<1x128xi32, #tpu.memory_space<vmem>> -> memref<128xi32, #tpu.memory_space<vmem>>
    %dma_wait3A_117 = arith.constant 0 : i32
    %dma_wait3A_118 = tpu.memref_slice %arg5[%dma_wait3A_117] : memref<1000xf32, #tpu.memory_space<hbm>> -> memref<1000xf32, #tpu.memory_space<hbm>>
    tpu.wait_indirect_dma semaphore(%arg12 : memref<!tpu.dma_semaphore, #tpu.memory_space<semaphore_mem>>) src(%dma_wait3A_118 : memref<1000xf32, #tpu.memory_space<hbm>>) dst(%dma_wait3A_113 : memref<128xf32, #tpu.memory_space<vmem>>)
    %dma_wait3A_119 = arith.constant 2 : i32
    %dma_wait3A_120 = arith.constant 2 : i32
    %dma_wait3A_121 = arith.constant 0 : i32
    %dma_wait3A_122 = tpu.memref_slice %arg9[%dma_wait3A_120, %dma_wait3A_121] : memref<4x128xf32, #tpu.memory_space<vmem>> -> memref<1x128xf32, #tpu.memory_space<vmem>>
    %dma_wait3A_123 = tpu.memref_squeeze %dma_wait3A_122 : memref<1x128xf32, #tpu.memory_space<vmem>> -> memref<128xf32, #tpu.memory_space<vmem>>
    %dma_wait3A_124 = arith.constant 0 : i32
    %dma_wait3A_125 = tpu.memref_slice %arg7[%dma_wait3A_119, %dma_wait3A_124] : memref<4x128xi32, #tpu.memory_space<vmem>> -> memref<1x128xi32, #tpu.memory_space<vmem>>
    %dma_wait3A_126 = tpu.memref_squeeze %dma_wait3A_125 : memref<1x128xi32, #tpu.memory_space<vmem>> -> memref<128xi32, #tpu.memory_space<vmem>>
    %dma_wait3A_127 = arith.constant 0 : i32
    %dma_wait3A_128 = tpu.memref_slice %arg4[%dma_wait3A_127] : memref<1000000xf32, #tpu.memory_space<hbm>> -> memref<1000000xf32, #tpu.memory_space<hbm>>
    tpu.wait_indirect_dma semaphore(%arg12 : memref<!tpu.dma_semaphore, #tpu.memory_space<semaphore_mem>>) src(%dma_wait3A_128 : memref<1000000xf32, #tpu.memory_space<hbm>>) dst(%dma_wait3A_123 : memref<128xf32, #tpu.memory_space<vmem>>)
    %dma_wait3A_129 = arith.constant 2 : i32
    %dma_wait3A_130 = arith.constant 2 : i32
    %dma_wait3A_131 = arith.constant 0 : i32
    %dma_wait3A_132 = tpu.memref_slice %arg10[%dma_wait3A_130, %dma_wait3A_131] : memref<4x128xf32, #tpu.memory_space<vmem>> -> memref<1x128xf32, #tpu.memory_space<vmem>>
    %dma_wait3A_133 = tpu.memref_squeeze %dma_wait3A_132 : memref<1x128xf32, #tpu.memory_space<vmem>> -> memref<128xf32, #tpu.memory_space<vmem>>
    %dma_wait3A_134 = arith.constant 0 : i32
    %dma_wait3A_135 = tpu.memref_slice %arg8[%dma_wait3A_129, %dma_wait3A_134] : memref<4x128xi32, #tpu.memory_space<vmem>> -> memref<1x128xi32, #tpu.memory_space<vmem>>
    %dma_wait3A_136 = tpu.memref_squeeze %dma_wait3A_135 : memref<1x128xi32, #tpu.memory_space<vmem>> -> memref<128xi32, #tpu.memory_space<vmem>>
    %dma_wait3A_137 = arith.constant 0 : i32
    %dma_wait3A_138 = tpu.memref_slice %arg5[%dma_wait3A_137] : memref<1000xf32, #tpu.memory_space<hbm>> -> memref<1000xf32, #tpu.memory_space<hbm>>
    tpu.wait_indirect_dma semaphore(%arg12 : memref<!tpu.dma_semaphore, #tpu.memory_space<semaphore_mem>>) src(%dma_wait3A_138 : memref<1000xf32, #tpu.memory_space<hbm>>) dst(%dma_wait3A_133 : memref<128xf32, #tpu.memory_space<vmem>>)
    %dma_wait3A_139 = arith.constant 3 : i32
    %dma_wait3A_140 = arith.constant 3 : i32
    %dma_wait3A_141 = arith.constant 0 : i32
    %dma_wait3A_142 = tpu.memref_slice %arg9[%dma_wait3A_140, %dma_wait3A_141] : memref<4x128xf32, #tpu.memory_space<vmem>> -> memref<1x128xf32, #tpu.memory_space<vmem>>
    %dma_wait3A_143 = tpu.memref_squeeze %dma_wait3A_142 : memref<1x128xf32, #tpu.memory_space<vmem>> -> memref<128xf32, #tpu.memory_space<vmem>>
    %dma_wait3A_144 = arith.constant 0 : i32
    %dma_wait3A_145 = tpu.memref_slice %arg7[%dma_wait3A_139, %dma_wait3A_144] : memref<4x128xi32, #tpu.memory_space<vmem>> -> memref<1x128xi32, #tpu.memory_space<vmem>>
    %dma_wait3A_146 = tpu.memref_squeeze %dma_wait3A_145 : memref<1x128xi32, #tpu.memory_space<vmem>> -> memref<128xi32, #tpu.memory_space<vmem>>
    %dma_wait3A_147 = arith.constant 0 : i32
    %dma_wait3A_148 = tpu.memref_slice %arg4[%dma_wait3A_147] : memref<1000000xf32, #tpu.memory_space<hbm>> -> memref<1000000xf32, #tpu.memory_space<hbm>>
    tpu.wait_indirect_dma semaphore(%arg12 : memref<!tpu.dma_semaphore, #tpu.memory_space<semaphore_mem>>) src(%dma_wait3A_148 : memref<1000000xf32, #tpu.memory_space<hbm>>) dst(%dma_wait3A_143 : memref<128xf32, #tpu.memory_space<vmem>>)
    %dma_wait3A_149 = arith.constant 3 : i32
    %dma_wait3A_150 = arith.constant 3 : i32
    %dma_wait3A_151 = arith.constant 0 : i32
    %dma_wait3A_152 = tpu.memref_slice %arg10[%dma_wait3A_150, %dma_wait3A_151] : memref<4x128xf32, #tpu.memory_space<vmem>> -> memref<1x128xf32, #tpu.memory_space<vmem>>
    %dma_wait3A_153 = tpu.memref_squeeze %dma_wait3A_152 : memref<1x128xf32, #tpu.memory_space<vmem>> -> memref<128xf32, #tpu.memory_space<vmem>>
    %dma_wait3A_154 = arith.constant 0 : i32
    %dma_wait3A_155 = tpu.memref_slice %arg8[%dma_wait3A_149, %dma_wait3A_154] : memref<4x128xi32, #tpu.memory_space<vmem>> -> memref<1x128xi32, #tpu.memory_space<vmem>>
    %dma_wait3A_156 = tpu.memref_squeeze %dma_wait3A_155 : memref<1x128xi32, #tpu.memory_space<vmem>> -> memref<128xi32, #tpu.memory_space<vmem>>
    %dma_wait3A_157 = arith.constant 0 : i32
    %dma_wait3A_158 = tpu.memref_slice %arg5[%dma_wait3A_157] : memref<1000xf32, #tpu.memory_space<hbm>> -> memref<1000xf32, #tpu.memory_space<hbm>>
    tpu.wait_indirect_dma semaphore(%arg12 : memref<!tpu.dma_semaphore, #tpu.memory_space<semaphore_mem>>) src(%dma_wait3A_158 : memref<1000xf32, #tpu.memory_space<hbm>>) dst(%dma_wait3A_153 : memref<128xf32, #tpu.memory_space<vmem>>)
    %broadcast_in_dim3A = arith.constant 0.000000e+00 : f32
    %broadcast_in_dim3A_159 = vector.broadcast %broadcast_in_dim3A : f32 to vector<16xf32>
    %get3A = arith.constant 0 : i32
    %get3A_160 = arith.index_cast %get3A : i32 to index
    %get3A_161 = arith.constant 0 : index
    %get3A_162 = tpu.vector_load %arg9[%get3A_160, %get3A_161] {strides = array<i32>} : memref<4x128xf32, #tpu.memory_space<vmem>>, vector<16xf32>,
    %get3A_163 = arith.constant 0 : i32
    %get3A_164 = arith.index_cast %get3A_163 : i32 to index
    %get3A_165 = arith.constant 0 : index
    %get3A_166 = tpu.vector_load %arg10[%get3A_164, %get3A_165] {strides = array<i32>} : memref<4x128xf32, #tpu.memory_space<vmem>>, vector<16xf32>,
    %sub3A = arith.subf %get3A_166, %get3A_162 : vector<16xf32>
    %add3A_167 = arith.addf %broadcast_in_dim3A_159, %sub3A : vector<16xf32>
    %get3A_168 = arith.constant 0 : i32
    %get3A_169 = arith.index_cast %get3A_168 : i32 to index
    %get3A_170 = arith.constant 16 : index
    %get3A_171 = tpu.vector_load %arg9[%get3A_169, %get3A_170] {strides = array<i32>} : memref<4x128xf32, #tpu.memory_space<vmem>>, vector<16xf32>,
    %get3A_172 = arith.constant 0 : i32
    %get3A_173 = arith.index_cast %get3A_172 : i32 to index
    %get3A_174 = arith.constant 16 : index
    %get3A_175 = tpu.vector_load %arg10[%get3A_173, %get3A_174] {strides = array<i32>} : memref<4x128xf32, #tpu.memory_space<vmem>>, vector<16xf32>,
    %sub3A_176 = arith.subf %get3A_175, %get3A_171 : vector<16xf32>
    %add3A_177 = arith.addf %add3A_167, %sub3A_176 : vector<16xf32>
    %get3A_178 = arith.constant 0 : i32
    %get3A_179 = arith.index_cast %get3A_178 : i32 to index
    %get3A_180 = arith.constant 32 : index
    %get3A_181 = tpu.vector_load %arg9[%get3A_179, %get3A_180] {strides = array<i32>} : memref<4x128xf32, #tpu.memory_space<vmem>>, vector<16xf32>,
    %get3A_182 = arith.constant 0 : i32
    %get3A_183 = arith.index_cast %get3A_182 : i32 to index
    %get3A_184 = arith.constant 32 : index
    %get3A_185 = tpu.vector_load %arg10[%get3A_183, %get3A_184] {strides = array<i32>} : memref<4x128xf32, #tpu.memory_space<vmem>>, vector<16xf32>,
    %sub3A_186 = arith.subf %get3A_185, %get3A_181 : vector<16xf32>
    %add3A_187 = arith.addf %add3A_177, %sub3A_186 : vector<16xf32>
    %get3A_188 = arith.constant 0 : i32
    %get3A_189 = arith.index_cast %get3A_188 : i32 to index
    %get3A_190 = arith.constant 48 : index
    %get3A_191 = tpu.vector_load %arg9[%get3A_189, %get3A_190] {strides = array<i32>} : memref<4x128xf32, #tpu.memory_space<vmem>>, vector<16xf32>,
    %get3A_192 = arith.constant 0 : i32
    %get3A_193 = arith.index_cast %get3A_192 : i32 to index
    %get3A_194 = arith.constant 48 : index
    %get3A_195 = tpu.vector_load %arg10[%get3A_193, %get3A_194] {strides = array<i32>} : memref<4x128xf32, #tpu.memory_space<vmem>>, vector<16xf32>,
    %sub3A_196 = arith.subf %get3A_195, %get3A_191 : vector<16xf32>
    %add3A_197 = arith.addf %add3A_187, %sub3A_196 : vector<16xf32>
    %get3A_198 = arith.constant 0 : i32
    %get3A_199 = arith.index_cast %get3A_198 : i32 to index
    %get3A_200 = arith.constant 64 : index
    %get3A_201 = tpu.vector_load %arg9[%get3A_199, %get3A_200] {strides = array<i32>} : memref<4x128xf32, #tpu.memory_space<vmem>>, vector<16xf32>,
    %get3A_202 = arith.constant 0 : i32
    %get3A_203 = arith.index_cast %get3A_202 : i32 to index
    %get3A_204 = arith.constant 64 : index
    %get3A_205 = tpu.vector_load %arg10[%get3A_203, %get3A_204] {strides = array<i32>} : memref<4x128xf32, #tpu.memory_space<vmem>>, vector<16xf32>,
    %sub3A_206 = arith.subf %get3A_205, %get3A_201 : vector<16xf32>
    %add3A_207 = arith.addf %add3A_197, %sub3A_206 : vector<16xf32>
    %get3A_208 = arith.constant 0 : i32
    %get3A_209 = arith.index_cast %get3A_208 : i32 to index
    %get3A_210 = arith.constant 80 : index
    %get3A_211 = tpu.vector_load %arg9[%get3A_209, %get3A_210] {strides = array<i32>} : memref<4x128xf32, #tpu.memory_space<vmem>>, vector<16xf32>,
    %get3A_212 = arith.constant 0 : i32
    %get3A_213 = arith.index_cast %get3A_212 : i32 to index
    %get3A_214 = arith.constant 80 : index
    %get3A_215 = tpu.vector_load %arg10[%get3A_213, %get3A_214] {strides = array<i32>} : memref<4x128xf32, #tpu.memory_space<vmem>>, vector<16xf32>,
    %sub3A_216 = arith.subf %get3A_215, %get3A_211 : vector<16xf32>
    %add3A_217 = arith.addf %add3A_207, %sub3A_216 : vector<16xf32>
    %get3A_218 = arith.constant 0 : i32
    %get3A_219 = arith.index_cast %get3A_218 : i32 to index
    %get3A_220 = arith.constant 96 : index
    %get3A_221 = tpu.vector_load %arg9[%get3A_219, %get3A_220] {strides = array<i32>} : memref<4x128xf32, #tpu.memory_space<vmem>>, vector<16xf32>,
    %get3A_222 = arith.constant 0 : i32
    %get3A_223 = arith.index_cast %get3A_222 : i32 to index
    %get3A_224 = arith.constant 96 : index
    %get3A_225 = tpu.vector_load %arg10[%get3A_223, %get3A_224] {strides = array<i32>} : memref<4x128xf32, #tpu.memory_space<vmem>>, vector<16xf32>,
    %sub3A_226 = arith.subf %get3A_225, %get3A_221 : vector<16xf32>
    %add3A_227 = arith.addf %add3A_217, %sub3A_226 : vector<16xf32>
    %get3A_228 = arith.constant 0 : i32
    %get3A_229 = arith.index_cast %get3A_228 : i32 to index
    %get3A_230 = arith.constant 112 : index
    %get3A_231 = tpu.vector_load %arg9[%get3A_229, %get3A_230] {strides = array<i32>} : memref<4x128xf32, #tpu.memory_space<vmem>>, vector<16xf32>,
    %get3A_232 = arith.constant 0 : i32
    %get3A_233 = arith.index_cast %get3A_232 : i32 to index
    %get3A_234 = arith.constant 112 : index
    %get3A_235 = tpu.vector_load %arg10[%get3A_233, %get3A_234] {strides = array<i32>} : memref<4x128xf32, #tpu.memory_space<vmem>>, vector<16xf32>,
    %sub3A_236 = arith.subf %get3A_235, %get3A_231 : vector<16xf32>
    %add3A_237 = arith.addf %add3A_227, %sub3A_236 : vector<16xf32>
    %get3A_238 = arith.constant 1 : i32
    %get3A_239 = arith.index_cast %get3A_238 : i32 to index
    %get3A_240 = arith.constant 0 : index
    %get3A_241 = tpu.vector_load %arg9[%get3A_239, %get3A_240] {strides = array<i32>} : memref<4x128xf32, #tpu.memory_space<vmem>>, vector<16xf32>,
    %get3A_242 = arith.constant 1 : i32
    %get3A_243 = arith.index_cast %get3A_242 : i32 to index
    %get3A_244 = arith.constant 0 : index
    %get3A_245 = tpu.vector_load %arg10[%get3A_243, %get3A_244] {strides = array<i32>} : memref<4x128xf32, #tpu.memory_space<vmem>>, vector<16xf32>,
    %sub3A_246 = arith.subf %get3A_245, %get3A_241 : vector<16xf32>
    %add3A_247 = arith.addf %add3A_237, %sub3A_246 : vector<16xf32>
    %get3A_248 = arith.constant 1 : i32
    %get3A_249 = arith.index_cast %get3A_248 : i32 to index
    %get3A_250 = arith.constant 16 : index
    %get3A_251 = tpu.vector_load %arg9[%get3A_249, %get3A_250] {strides = array<i32>} : memref<4x128xf32, #tpu.memory_space<vmem>>, vector<16xf32>,
    %get3A_252 = arith.constant 1 : i32
    %get3A_253 = arith.index_cast %get3A_252 : i32 to index
    %get3A_254 = arith.constant 16 : index
    %get3A_255 = tpu.vector_load %arg10[%get3A_253, %get3A_254] {strides = array<i32>} : memref<4x128xf32, #tpu.memory_space<vmem>>, vector<16xf32>,
    %sub3A_256 = arith.subf %get3A_255, %get3A_251 : vector<16xf32>
    %add3A_257 = arith.addf %add3A_247, %sub3A_256 : vector<16xf32>
    %get3A_258 = arith.constant 1 : i32
    %get3A_259 = arith.index_cast %get3A_258 : i32 to index
    %get3A_260 = arith.constant 32 : index
    %get3A_261 = tpu.vector_load %arg9[%get3A_259, %get3A_260] {strides = array<i32>} : memref<4x128xf32, #tpu.memory_space<vmem>>, vector<16xf32>,
    %get3A_262 = arith.constant 1 : i32
    %get3A_263 = arith.index_cast %get3A_262 : i32 to index
    %get3A_264 = arith.constant 32 : index
    %get3A_265 = tpu.vector_load %arg10[%get3A_263, %get3A_264] {strides = array<i32>} : memref<4x128xf32, #tpu.memory_space<vmem>>, vector<16xf32>,
    %sub3A_266 = arith.subf %get3A_265, %get3A_261 : vector<16xf32>
    %add3A_267 = arith.addf %add3A_257, %sub3A_266 : vector<16xf32>
    %get3A_268 = arith.constant 1 : i32
    %get3A_269 = arith.index_cast %get3A_268 : i32 to index
    %get3A_270 = arith.constant 48 : index
    %get3A_271 = tpu.vector_load %arg9[%get3A_269, %get3A_270] {strides = array<i32>} : memref<4x128xf32, #tpu.memory_space<vmem>>, vector<16xf32>,
    %get3A_272 = arith.constant 1 : i32
    %get3A_273 = arith.index_cast %get3A_272 : i32 to index
    %get3A_274 = arith.constant 48 : index
    %get3A_275 = tpu.vector_load %arg10[%get3A_273, %get3A_274] {strides = array<i32>} : memref<4x128xf32, #tpu.memory_space<vmem>>, vector<16xf32>,
    %sub3A_276 = arith.subf %get3A_275, %get3A_271 : vector<16xf32>
    %add3A_277 = arith.addf %add3A_267, %sub3A_276 : vector<16xf32>
    %get3A_278 = arith.constant 1 : i32
    %get3A_279 = arith.index_cast %get3A_278 : i32 to index
    %get3A_280 = arith.constant 64 : index
    %get3A_281 = tpu.vector_load %arg9[%get3A_279, %get3A_280] {strides = array<i32>} : memref<4x128xf32, #tpu.memory_space<vmem>>, vector<16xf32>,
    %get3A_282 = arith.constant 1 : i32
    %get3A_283 = arith.index_cast %get3A_282 : i32 to index
    %get3A_284 = arith.constant 64 : index
    %get3A_285 = tpu.vector_load %arg10[%get3A_283, %get3A_284] {strides = array<i32>} : memref<4x128xf32, #tpu.memory_space<vmem>>, vector<16xf32>,
    %sub3A_286 = arith.subf %get3A_285, %get3A_281 : vector<16xf32>
    %add3A_287 = arith.addf %add3A_277, %sub3A_286 : vector<16xf32>
    %get3A_288 = arith.constant 1 : i32
    %get3A_289 = arith.index_cast %get3A_288 : i32 to index
    %get3A_290 = arith.constant 80 : index
    %get3A_291 = tpu.vector_load %arg9[%get3A_289, %get3A_290] {strides = array<i32>} : memref<4x128xf32, #tpu.memory_space<vmem>>, vector<16xf32>,
    %get3A_292 = arith.constant 1 : i32
    %get3A_293 = arith.index_cast %get3A_292 : i32 to index
    %get3A_294 = arith.constant 80 : index
    %get3A_295 = tpu.vector_load %arg10[%get3A_293, %get3A_294] {strides = array<i32>} : memref<4x128xf32, #tpu.memory_space<vmem>>, vector<16xf32>,
    %sub3A_296 = arith.subf %get3A_295, %get3A_291 : vector<16xf32>
    %add3A_297 = arith.addf %add3A_287, %sub3A_296 : vector<16xf32>
    %get3A_298 = arith.constant 1 : i32
    %get3A_299 = arith.index_cast %get3A_298 : i32 to index
    %get3A_300 = arith.constant 96 : index
    %get3A_301 = tpu.vector_load %arg9[%get3A_299, %get3A_300] {strides = array<i32>} : memref<4x128xf32, #tpu.memory_space<vmem>>, vector<16xf32>,
    %get3A_302 = arith.constant 1 : i32
    %get3A_303 = arith.index_cast %get3A_302 : i32 to index
    %get3A_304 = arith.constant 96 : index
    %get3A_305 = tpu.vector_load %arg10[%get3A_303, %get3A_304] {strides = array<i32>} : memref<4x128xf32, #tpu.memory_space<vmem>>, vector<16xf32>,
    %sub3A_306 = arith.subf %get3A_305, %get3A_301 : vector<16xf32>
    %add3A_307 = arith.addf %add3A_297, %sub3A_306 : vector<16xf32>
    %get3A_308 = arith.constant 1 : i32
    %get3A_309 = arith.index_cast %get3A_308 : i32 to index
    %get3A_310 = arith.constant 112 : index
    %get3A_311 = tpu.vector_load %arg9[%get3A_309, %get3A_310] {strides = array<i32>} : memref<4x128xf32, #tpu.memory_space<vmem>>, vector<16xf32>,
    %get3A_312 = arith.constant 1 : i32
    %get3A_313 = arith.index_cast %get3A_312 : i32 to index
    %get3A_314 = arith.constant 112 : index
    %get3A_315 = tpu.vector_load %arg10[%get3A_313, %get3A_314] {strides = array<i32>} : memref<4x128xf32, #tpu.memory_space<vmem>>, vector<16xf32>,
    %sub3A_316 = arith.subf %get3A_315, %get3A_311 : vector<16xf32>
    %add3A_317 = arith.addf %add3A_307, %sub3A_316 : vector<16xf32>
    %get3A_318 = arith.constant 2 : i32
    %get3A_319 = arith.index_cast %get3A_318 : i32 to index
    %get3A_320 = arith.constant 0 : index
    %get3A_321 = tpu.vector_load %arg9[%get3A_319, %get3A_320] {strides = array<i32>} : memref<4x128xf32, #tpu.memory_space<vmem>>, vector<16xf32>,
    %get3A_322 = arith.constant 2 : i32
    %get3A_323 = arith.index_cast %get3A_322 : i32 to index
    %get3A_324 = arith.constant 0 : index
    %get3A_325 = tpu.vector_load %arg10[%get3A_323, %get3A_324] {strides = array<i32>} : memref<4x128xf32, #tpu.memory_space<vmem>>, vector<16xf32>,
    %sub3A_326 = arith.subf %get3A_325, %get3A_321 : vector<16xf32>
    %add3A_327 = arith.addf %add3A_317, %sub3A_326 : vector<16xf32>
    %get3A_328 = arith.constant 2 : i32
    %get3A_329 = arith.index_cast %get3A_328 : i32 to index
    %get3A_330 = arith.constant 16 : index
    %get3A_331 = tpu.vector_load %arg9[%get3A_329, %get3A_330] {strides = array<i32>} : memref<4x128xf32, #tpu.memory_space<vmem>>, vector<16xf32>,
    %get3A_332 = arith.constant 2 : i32
    %get3A_333 = arith.index_cast %get3A_332 : i32 to index
    %get3A_334 = arith.constant 16 : index
    %get3A_335 = tpu.vector_load %arg10[%get3A_333, %get3A_334] {strides = array<i32>} : memref<4x128xf32, #tpu.memory_space<vmem>>, vector<16xf32>,
    %sub3A_336 = arith.subf %get3A_335, %get3A_331 : vector<16xf32>
    %add3A_337 = arith.addf %add3A_327, %sub3A_336 : vector<16xf32>
    %get3A_338 = arith.constant 2 : i32
    %get3A_339 = arith.index_cast %get3A_338 : i32 to index
    %get3A_340 = arith.constant 32 : index
    %get3A_341 = tpu.vector_load %arg9[%get3A_339, %get3A_340] {strides = array<i32>} : memref<4x128xf32, #tpu.memory_space<vmem>>, vector<16xf32>,
    %get3A_342 = arith.constant 2 : i32
    %get3A_343 = arith.index_cast %get3A_342 : i32 to index
    %get3A_344 = arith.constant 32 : index
    %get3A_345 = tpu.vector_load %arg10[%get3A_343, %get3A_344] {strides = array<i32>} : memref<4x128xf32, #tpu.memory_space<vmem>>, vector<16xf32>,
    %sub3A_346 = arith.subf %get3A_345, %get3A_341 : vector<16xf32>
    %add3A_347 = arith.addf %add3A_337, %sub3A_346 : vector<16xf32>
    %get3A_348 = arith.constant 2 : i32
    %get3A_349 = arith.index_cast %get3A_348 : i32 to index
    %get3A_350 = arith.constant 48 : index
    %get3A_351 = tpu.vector_load %arg9[%get3A_349, %get3A_350] {strides = array<i32>} : memref<4x128xf32, #tpu.memory_space<vmem>>, vector<16xf32>,
    %get3A_352 = arith.constant 2 : i32
    %get3A_353 = arith.index_cast %get3A_352 : i32 to index
    %get3A_354 = arith.constant 48 : index
    %get3A_355 = tpu.vector_load %arg10[%get3A_353, %get3A_354] {strides = array<i32>} : memref<4x128xf32, #tpu.memory_space<vmem>>, vector<16xf32>,
    %sub3A_356 = arith.subf %get3A_355, %get3A_351 : vector<16xf32>
    %add3A_357 = arith.addf %add3A_347, %sub3A_356 : vector<16xf32>
    %get3A_358 = arith.constant 2 : i32
    %get3A_359 = arith.index_cast %get3A_358 : i32 to index
    %get3A_360 = arith.constant 64 : index
    %get3A_361 = tpu.vector_load %arg9[%get3A_359, %get3A_360] {strides = array<i32>} : memref<4x128xf32, #tpu.memory_space<vmem>>, vector<16xf32>,
    %get3A_362 = arith.constant 2 : i32
    %get3A_363 = arith.index_cast %get3A_362 : i32 to index
    %get3A_364 = arith.constant 64 : index
    %get3A_365 = tpu.vector_load %arg10[%get3A_363, %get3A_364] {strides = array<i32>} : memref<4x128xf32, #tpu.memory_space<vmem>>, vector<16xf32>,
    %sub3A_366 = arith.subf %get3A_365, %get3A_361 : vector<16xf32>
    %add3A_367 = arith.addf %add3A_357, %sub3A_366 : vector<16xf32>
    %get3A_368 = arith.constant 2 : i32
    %get3A_369 = arith.index_cast %get3A_368 : i32 to index
    %get3A_370 = arith.constant 80 : index
    %get3A_371 = tpu.vector_load %arg9[%get3A_369, %get3A_370] {strides = array<i32>} : memref<4x128xf32, #tpu.memory_space<vmem>>, vector<16xf32>,
    %get3A_372 = arith.constant 2 : i32
    %get3A_373 = arith.index_cast %get3A_372 : i32 to index
    %get3A_374 = arith.constant 80 : index
    %get3A_375 = tpu.vector_load %arg10[%get3A_373, %get3A_374] {strides = array<i32>} : memref<4x128xf32, #tpu.memory_space<vmem>>, vector<16xf32>,
    %sub3A_376 = arith.subf %get3A_375, %get3A_371 : vector<16xf32>
    %add3A_377 = arith.addf %add3A_367, %sub3A_376 : vector<16xf32>
    %get3A_378 = arith.constant 2 : i32
    %get3A_379 = arith.index_cast %get3A_378 : i32 to index
    %get3A_380 = arith.constant 96 : index
    %get3A_381 = tpu.vector_load %arg9[%get3A_379, %get3A_380] {strides = array<i32>} : memref<4x128xf32, #tpu.memory_space<vmem>>, vector<16xf32>,
    %get3A_382 = arith.constant 2 : i32
    %get3A_383 = arith.index_cast %get3A_382 : i32 to index
    %get3A_384 = arith.constant 96 : index
    %get3A_385 = tpu.vector_load %arg10[%get3A_383, %get3A_384] {strides = array<i32>} : memref<4x128xf32, #tpu.memory_space<vmem>>, vector<16xf32>,
    %sub3A_386 = arith.subf %get3A_385, %get3A_381 : vector<16xf32>
    %add3A_387 = arith.addf %add3A_377, %sub3A_386 : vector<16xf32>
    %get3A_388 = arith.constant 2 : i32
    %get3A_389 = arith.index_cast %get3A_388 : i32 to index
    %get3A_390 = arith.constant 112 : index
    %get3A_391 = tpu.vector_load %arg9[%get3A_389, %get3A_390] {strides = array<i32>} : memref<4x128xf32, #tpu.memory_space<vmem>>, vector<16xf32>,
    %get3A_392 = arith.constant 2 : i32
    %get3A_393 = arith.index_cast %get3A_392 : i32 to index
    %get3A_394 = arith.constant 112 : index
    %get3A_395 = tpu.vector_load %arg10[%get3A_393, %get3A_394] {strides = array<i32>} : memref<4x128xf32, #tpu.memory_space<vmem>>, vector<16xf32>,
    %sub3A_396 = arith.subf %get3A_395, %get3A_391 : vector<16xf32>
    %add3A_397 = arith.addf %add3A_387, %sub3A_396 : vector<16xf32>
    %get3A_398 = arith.constant 3 : i32
    %get3A_399 = arith.index_cast %get3A_398 : i32 to index
    %get3A_400 = arith.constant 0 : index
    %get3A_401 = tpu.vector_load %arg9[%get3A_399, %get3A_400] {strides = array<i32>} : memref<4x128xf32, #tpu.memory_space<vmem>>, vector<16xf32>,
    %get3A_402 = arith.constant 3 : i32
    %get3A_403 = arith.index_cast %get3A_402 : i32 to index
    %get3A_404 = arith.constant 0 : index
    %get3A_405 = tpu.vector_load %arg10[%get3A_403, %get3A_404] {strides = array<i32>} : memref<4x128xf32, #tpu.memory_space<vmem>>, vector<16xf32>,
    %sub3A_406 = arith.subf %get3A_405, %get3A_401 : vector<16xf32>
    %add3A_407 = arith.addf %add3A_397, %sub3A_406 : vector<16xf32>
    %get3A_408 = arith.constant 3 : i32
    %get3A_409 = arith.index_cast %get3A_408 : i32 to index
    %get3A_410 = arith.constant 16 : index
    %get3A_411 = tpu.vector_load %arg9[%get3A_409, %get3A_410] {strides = array<i32>} : memref<4x128xf32, #tpu.memory_space<vmem>>, vector<16xf32>,
    %get3A_412 = arith.constant 3 : i32
    %get3A_413 = arith.index_cast %get3A_412 : i32 to index
    %get3A_414 = arith.constant 16 : index
    %get3A_415 = tpu.vector_load %arg10[%get3A_413, %get3A_414] {strides = array<i32>} : memref<4x128xf32, #tpu.memory_space<vmem>>, vector<16xf32>,
    %sub3A_416 = arith.subf %get3A_415, %get3A_411 : vector<16xf32>
    %add3A_417 = arith.addf %add3A_407, %sub3A_416 : vector<16xf32>
    %get3A_418 = arith.constant 3 : i32
    %get3A_419 = arith.index_cast %get3A_418 : i32 to index
    %get3A_420 = arith.constant 32 : index
    %get3A_421 = tpu.vector_load %arg9[%get3A_419, %get3A_420] {strides = array<i32>} : memref<4x128xf32, #tpu.memory_space<vmem>>, vector<16xf32>,
    %get3A_422 = arith.constant 3 : i32
    %get3A_423 = arith.index_cast %get3A_422 : i32 to index
    %get3A_424 = arith.constant 32 : index
    %get3A_425 = tpu.vector_load %arg10[%get3A_423, %get3A_424] {strides = array<i32>} : memref<4x128xf32, #tpu.memory_space<vmem>>, vector<16xf32>,
    %sub3A_426 = arith.subf %get3A_425, %get3A_421 : vector<16xf32>
    %add3A_427 = arith.addf %add3A_417, %sub3A_426 : vector<16xf32>
    %get3A_428 = arith.constant 3 : i32
    %get3A_429 = arith.index_cast %get3A_428 : i32 to index
    %get3A_430 = arith.constant 48 : index
    %get3A_431 = tpu.vector_load %arg9[%get3A_429, %get3A_430] {strides = array<i32>} : memref<4x128xf32, #tpu.memory_space<vmem>>, vector<16xf32>,
    %get3A_432 = arith.constant 3 : i32
    %get3A_433 = arith.index_cast %get3A_432 : i32 to index
    %get3A_434 = arith.constant 48 : index
    %get3A_435 = tpu.vector_load %arg10[%get3A_433, %get3A_434] {strides = array<i32>} : memref<4x128xf32, #tpu.memory_space<vmem>>, vector<16xf32>,
    %sub3A_436 = arith.subf %get3A_435, %get3A_431 : vector<16xf32>
    %add3A_437 = arith.addf %add3A_427, %sub3A_436 : vector<16xf32>
    %get3A_438 = arith.constant 3 : i32
    %get3A_439 = arith.index_cast %get3A_438 : i32 to index
    %get3A_440 = arith.constant 64 : index
    %get3A_441 = tpu.vector_load %arg9[%get3A_439, %get3A_440] {strides = array<i32>} : memref<4x128xf32, #tpu.memory_space<vmem>>, vector<16xf32>,
    %get3A_442 = arith.constant 3 : i32
    %get3A_443 = arith.index_cast %get3A_442 : i32 to index
    %get3A_444 = arith.constant 64 : index
    %get3A_445 = tpu.vector_load %arg10[%get3A_443, %get3A_444] {strides = array<i32>} : memref<4x128xf32, #tpu.memory_space<vmem>>, vector<16xf32>,
    %sub3A_446 = arith.subf %get3A_445, %get3A_441 : vector<16xf32>
    %add3A_447 = arith.addf %add3A_437, %sub3A_446 : vector<16xf32>
    %get3A_448 = arith.constant 3 : i32
    %get3A_449 = arith.index_cast %get3A_448 : i32 to index
    %get3A_450 = arith.constant 80 : index
    %get3A_451 = tpu.vector_load %arg9[%get3A_449, %get3A_450] {strides = array<i32>} : memref<4x128xf32, #tpu.memory_space<vmem>>, vector<16xf32>,
    %get3A_452 = arith.constant 3 : i32
    %get3A_453 = arith.index_cast %get3A_452 : i32 to index
    %get3A_454 = arith.constant 80 : index
    %get3A_455 = tpu.vector_load %arg10[%get3A_453, %get3A_454] {strides = array<i32>} : memref<4x128xf32, #tpu.memory_space<vmem>>, vector<16xf32>,
    %sub3A_456 = arith.subf %get3A_455, %get3A_451 : vector<16xf32>
    %add3A_457 = arith.addf %add3A_447, %sub3A_456 : vector<16xf32>
    %get3A_458 = arith.constant 3 : i32
    %get3A_459 = arith.index_cast %get3A_458 : i32 to index
    %get3A_460 = arith.constant 96 : index
    %get3A_461 = tpu.vector_load %arg9[%get3A_459, %get3A_460] {strides = array<i32>} : memref<4x128xf32, #tpu.memory_space<vmem>>, vector<16xf32>,
    %get3A_462 = arith.constant 3 : i32
    %get3A_463 = arith.index_cast %get3A_462 : i32 to index
    %get3A_464 = arith.constant 96 : index
    %get3A_465 = tpu.vector_load %arg10[%get3A_463, %get3A_464] {strides = array<i32>} : memref<4x128xf32, #tpu.memory_space<vmem>>, vector<16xf32>,
    %sub3A_466 = arith.subf %get3A_465, %get3A_461 : vector<16xf32>
    %add3A_467 = arith.addf %add3A_457, %sub3A_466 : vector<16xf32>
    %get3A_468 = arith.constant 3 : i32
    %get3A_469 = arith.index_cast %get3A_468 : i32 to index
    %get3A_470 = arith.constant 112 : index
    %get3A_471 = tpu.vector_load %arg9[%get3A_469, %get3A_470] {strides = array<i32>} : memref<4x128xf32, #tpu.memory_space<vmem>>, vector<16xf32>,
    %get3A_472 = arith.constant 3 : i32
    %get3A_473 = arith.index_cast %get3A_472 : i32 to index
    %get3A_474 = arith.constant 112 : index
    %get3A_475 = tpu.vector_load %arg10[%get3A_473, %get3A_474] {strides = array<i32>} : memref<4x128xf32, #tpu.memory_space<vmem>>, vector<16xf32>,
    %sub3A_476 = arith.subf %get3A_475, %get3A_471 : vector<16xf32>
    %add3A_477 = arith.addf %add3A_467, %sub3A_476 : vector<16xf32>
    %swap3A = arith.constant 0 : index
    %swap3A_478 = tpu.vector_load %arg11[%swap3A] {strides = array<i32>} : memref<16xf32, #tpu.memory_space<vmem>>, vector<16xf32>,
    tpu.vector_store %arg11[%swap3A], %add3A_477 {strides = array<i32>} : memref<16xf32, #tpu.memory_space<vmem>>, vector<16xf32>,
    "tpu.region"() ({
      %run_scoped3A = tpu.sem_alloc : memref<!tpu.dma_semaphore, #tpu.memory_space<semaphore_mem>>
      %dma_start3A_479 = arith.constant 0 : i32
      %dma_start3A_480 = tpu.memref_slice %arg6[%add3A, %dma_start3A_479] : memref<32x16xf32, #tpu.memory_space<hbm>> -> memref<1x16xf32, #tpu.memory_space<hbm>>
      %dma_start3A_481 = tpu.memref_squeeze %dma_start3A_480 : memref<1x16xf32, #tpu.memory_space<hbm>> -> memref<16xf32, #tpu.memory_space<hbm>>
      %dma_start3A_482 = arith.constant 0 : i32
      %dma_start3A_483 = tpu.memref_slice %arg6[%add3A, %dma_start3A_482] : memref<32x16xf32, #tpu.memory_space<hbm>> -> memref<1x16xf32, #tpu.memory_space<hbm>>
      %dma_start3A_484 = tpu.memref_squeeze %dma_start3A_483 : memref<1x16xf32, #tpu.memory_space<hbm>> -> memref<16xf32, #tpu.memory_space<hbm>>
      tpu.enqueue_dma source(%arg11 : memref<16xf32, #tpu.memory_space<vmem>>) target(%dma_start3A_484 : memref<16xf32, #tpu.memory_space<hbm>>) target_semaphore(%run_scoped3A : memref<!tpu.dma_semaphore, #tpu.memory_space<semaphore_mem>>)
      %dma_wait3A_485 = arith.constant 0 : i32
      %dma_wait3A_486 = tpu.memref_slice %arg6[%add3A, %dma_wait3A_485] : memref<32x16xf32, #tpu.memory_space<hbm>> -> memref<1x16xf32, #tpu.memory_space<hbm>>
      %dma_wait3A_487 = tpu.memref_squeeze %dma_wait3A_486 : memref<1x16xf32, #tpu.memory_space<hbm>> -> memref<16xf32, #tpu.memory_space<hbm>>
      %dma_wait3A_488 = arith.constant 0 : i32
      %dma_wait3A_489 = tpu.memref_slice %arg6[%add3A, %dma_wait3A_488] : memref<32x16xf32, #tpu.memory_space<hbm>> -> memref<1x16xf32, #tpu.memory_space<hbm>>
      %dma_wait3A_490 = tpu.memref_squeeze %dma_wait3A_489 : memref<1x16xf32, #tpu.memory_space<hbm>> -> memref<16xf32, #tpu.memory_space<hbm>>
      tpu.wait_dma2 semaphore(%run_scoped3A : memref<!tpu.dma_semaphore, #tpu.memory_space<semaphore_mem>>) src(%arg11 : memref<16xf32, #tpu.memory_space<vmem>>) dst(%dma_wait3A_490 : memref<16xf32, #tpu.memory_space<hbm>>)
      tpu.yield
    }) : () -> ()
    return
  }
}

module attributes {stable_mosaic.version = 14 : i64} {
  func.func @_lse_body(%arg0: memref<1000x1000xf32, #tpu.memory_space<vmem>>, %arg1: memref<1000xf32, #tpu.memory_space<vmem>>) attributes {dimension_semantics = [], scalar_prefetch = 0 : i64, scratch_operands = 0 : i64, tpu.core_type = #tpu.core_type<tc>} {
    %get3A = arith.constant 0 : index
    %get3A_0 = arith.constant 0 : index
    %get3A_1 = vector.load %arg0[%get3A, %get3A_0] : memref<1000x1000xf32, #tpu.memory_space<vmem>>, vector<1000x1000xf32>
    %reduce_max3A = arith.constant dense<0xFF800000> : vector<1000xf32>
    %reduce_max3A_2 = vector.multi_reduction <maximumf>, %get3A_1, %reduce_max3A [1] : vector<1000x1000xf32> to vector<1000xf32>
    %broadcast_in_dim3A = vector.shape_cast %reduce_max3A_2 : vector<1000xf32> to vector<1000x1xf32>
    %sub3A = vector.broadcast %broadcast_in_dim3A : vector<1000x1xf32> to vector<1000x1000xf32>
    %sub3A_3 = arith.subf %get3A_1, %sub3A : vector<1000x1000xf32>
    %exp3A = math.exp %sub3A_3 : vector<1000x1000xf32>
    %reduce_sum3A = arith.constant dense<0.000000e+00> : vector<1000xf32>
    %reduce_sum3A_4 = vector.multi_reduction <add>, %exp3A, %reduce_sum3A [1] : vector<1000x1000xf32> to vector<1000xf32>
    %log3A = math.log %reduce_sum3A_4 : vector<1000xf32>
    %add3A = arith.addf %reduce_max3A_2, %log3A : vector<1000xf32>
    %swap3A = arith.constant 0 : index
    %swap3A_5 = vector.load %arg1[%swap3A] : memref<1000xf32, #tpu.memory_space<vmem>>, vector<1000xf32>
    tpu.vector_store %arg1[%swap3A], %add3A {strides = array<i32>} : memref<1000xf32, #tpu.memory_space<vmem>>, vector<1000xf32>,
    return
  }
}

module attributes {stable_mosaic.version = 14 : i64} {
  func.func @_mmt_body(%arg0: i32, %arg1: memref<1x1x1024xi32, #tpu.memory_space<vmem>>, %arg2: memref<1000x1000xbf16, #tpu.memory_space<vmem>>, %arg3: memref<1000x1024xf32, #tpu.memory_space<vmem>>) attributes {dimension_semantics = [#tpu.dimension_semantics<arbitrary>], iteration_bounds = array<i64: 16>, scalar_prefetch = 0 : i64, scratch_operands = 0 : i64, tpu.core_type = #tpu.core_type<tc>, window_params = [{transform_indices = @transform_0, window_bounds = array<i64: 1, 1, 1024>}, {pipeline_mode = #tpu.pipeline_mode<synchronous>, transform_indices = @transform_1, window_bounds = array<i64: 1000, 1000>}, {transform_indices = @transform_2, window_bounds = array<i64: 1000, 1024>}]} {
    %iota3A = tpu.iota {dimensions = array<i32: 0>} : vector<1000x1024xi32>
    %get3A = arith.constant 0 : index
    %get3A_0 = arith.constant 0 : index
    %get3A_1 = arith.constant 0 : index
    %get3A_2 = vector.load %arg1[%get3A, %get3A_0, %get3A_1] : memref<1x1x1024xi32, #tpu.memory_space<vmem>>, vector<1x1x1024xi32>
    %get3A_3 = vector.shape_cast %get3A_2 : vector<1x1x1024xi32> to vector<1x1024xi32>
    %eq3A = vector.broadcast %get3A_3 : vector<1x1024xi32> to vector<1000x1024xi32>
    %eq3A_4 = arith.cmpi eq, %iota3A, %eq3A : vector<1000x1024xi32>
    %convert_element_type3A = arith.extui %eq3A_4 : vector<1000x1024xi1> to vector<1000x1024xi32>
    %convert_element_type3A_5 = arith.sitofp %convert_element_type3A : vector<1000x1024xi32> to vector<1000x1024xf32>
    %convert_element_type3A_6 = arith.truncf %convert_element_type3A_5 : vector<1000x1024xf32> to vector<1000x1024xbf16>
    %get3A_7 = arith.constant 0 : index
    %get3A_8 = arith.constant 0 : index
    %get3A_9 = vector.load %arg2[%get3A_7, %get3A_8] : memref<1000x1000xbf16, #tpu.memory_space<vmem>>, vector<1000x1000xbf16>
    %dot_general3A = arith.constant dense<0.000000e+00> : vector<1000x1024xf32>
    %dot_general3A_10 = tpu.matmul %get3A_9, %convert_element_type3A_6, %dot_general3A {dimension_numbers = #tpu.dot_dimension_numbers<[0], [0], [1], [1], [0, 1, 1, 1], [], []>, transpose_lhs_hint = false} : vector<1000x1000xbf16>, vector<1000x1024xbf16>, vector<1000x1024xf32> -> vector<1000x1024xf32>
    %swap3A = arith.constant 0 : index
    %swap3A_11 = arith.constant 0 : index
    %swap3A_12 = vector.load %arg3[%swap3A, %swap3A_11] : memref<1000x1024xf32, #tpu.memory_space<vmem>>, vector<1000x1024xf32>
    tpu.vector_store %arg3[%swap3A, %swap3A_11], %dot_general3A_10 {strides = array<i32>} : memref<1000x1024xf32, #tpu.memory_space<vmem>>, vector<1000x1024xf32>,
    return
  }
  func.func @transform_0(%arg0: i32) -> (i32, i32, i32) {
    %c0_i32 = arith.constant 0 : i32
    %c0_i32_0 = arith.constant 0 : i32
    %c0_i32_1 = arith.constant 0 : i32
    return %arg0, %c0_i32, %c0_i32_0 : i32, i32, i32
  }
  func.func @transform_1(%arg0: i32) -> (i32, i32) {
    %c0_i32 = arith.constant 0 : i32
    %c0_i32_0 = arith.constant 0 : i32
    %c0_i32_1 = arith.constant 0 : i32
    return %c0_i32, %c0_i32_0 : i32, i32
  }
  func.func @transform_2(%arg0: i32) -> (i32, i32) {
    %c0_i32 = arith.constant 0 : i32
    %c0_i32_0 = arith.constant 0 : i32
    return %c0_i32, %arg0 : i32, i32
  }
}

module attributes {stable_mosaic.version = 14 : i64} {
  func.func @_loss_body(%arg0: memref<32x16xf32, #tpu.memory_space<vmem>>, %arg1: memref<1x1xf32, #tpu.memory_space<vmem>>) attributes {dimension_semantics = [], scalar_prefetch = 0 : i64, scratch_operands = 0 : i64, tpu.core_type = #tpu.core_type<tc>} {
    %get3A = arith.constant 0 : index
    %get3A_0 = arith.constant 0 : index
    %get3A_1 = vector.load %arg0[%get3A, %get3A_0] : memref<32x16xf32, #tpu.memory_space<vmem>>, vector<32x16xf32>
    %reduce_sum3A = vector.shape_cast %get3A_1 : vector<32x16xf32> to vector<1x32x16xf32>
    %reduce_sum3A_2 = arith.constant dense<0.000000e+00> : vector<1xf32>
    %reduce_sum3A_3 = vector.multi_reduction <add>, %reduce_sum3A, %reduce_sum3A_2 [1, 2] : vector<1x32x16xf32> to vector<1xf32>
    %reduce_sum3A_4 = vector.shape_cast %reduce_sum3A_3 : vector<1xf32> to vector<1x1x1xf32>
    %reduce_sum3A_5 = vector.extract %reduce_sum3A_4[0, 0, 0] : f32 from vector<1x1x1xf32>
    %div3A = arith.constant 1.638400e+04 : f32
    %div3A_6 = arith.divf %reduce_sum3A_5, %div3A : f32
    %reshape3A = vector.broadcast %div3A_6 : f32 to vector<1x1xf32>
    %swap3A = arith.constant 0 : index
    %swap3A_7 = arith.constant 0 : index
    %swap3A_8 = vector.load %arg1[%swap3A, %swap3A_7] : memref<1x1xf32, #tpu.memory_space<vmem>>, vector<1x1xf32>
    tpu.vector_store %arg1[%swap3A, %swap3A_7], %reshape3A {strides = array<i32>} : memref<1x1xf32, #tpu.memory_space<vmem>>, vector<1x1xf32>,
    return
  }
}

</mosaic_0001>

<sc_bundles>
// kernel: kernel.6.cloned.1.call-start
scs
__scs_entry_jumppad:
0x0: {  	(pc) =	sbr.rel $0x88, $3  }
0x1: {  	(tag) =	ssettag $0x0;
	lr =	simm.s32 $0x1  }
0x2: {  	[smem:$0x3F9E] =	sst lr;
	_ =	strace $0xD0000000  }
0x3: {  	_ = 	snop  }
0x4: {  	_ = 	snop  }
0x5: {  	_ = 	snop  }
0x6: {  	_ = 	snop  }
0x7: {  	_ = 	snop  }
__scs_overlays_trampoline_lowered:
0x8: {  	[smem:$0x3FAD] =	sst s0  }
0x9: {  	[smem:$0x3FAE] =	sst s1  }
0xa: {  	[smem:$0x3FAF] =	sst s2  }
0xb: {  	[smem:$0x3FB0] =	sst s3  }
0xc: {  	[smem:$0x3FB1] =	sst s4  }
0xd: {  	[smem:$0x3FB2] =	sst s5  }
0xe: {  	[smem:$0x3FB3] =	sst s6  }
0xf: {  	[smem:$0x3FB4] =	sst s7  }
0x10: {  	[smem:$0x3FB5] =	sst s8  }
0x11: {  	[smem:$0x3FB6] =	sst s9;
	s0 =	simm.s32 @!p0 $0x0  }
0x12: {  	s1 =	sld [smem:$0x3F9C];
	s0 =	simm.s32 @p0 $0x1  }
0x13: {  	[smem:$0x3FB7] =	sst s0;
	s0 =	simm.s32 @!p1 $0x0  }
0x14: {  	s2 =	sld [smem:$0x3F9B];
	s0 =	simm.s32 @p1 $0x1  }
0x15: {  	[smem:$0x3FB8] =	sst s0;
	s0 =	simm.s32 @!p2 $0x0  }
0x16: {  	s3 =	sld [smem:$0x3FDB];
	s0 =	simm.s32 @p2 $0x1  }
0x17: {  	s4 =	simm.s32 $0x1BF5;
	[smem:$0x3FBA] =	sst s0  }
0x18: {  	s0 =	sld [smem:$0x3F9D];
	_ =	swait.ge [sflag:s4], $0x0  }
0x19: {  	s7 =	sld [smem:$0x3F9E]  }
0x1a: {  	s8 =	sadd.s32 $0xFFFFE003, lr  }
0x1b: {  	s9 =	sadd.s32 $0xFFFFFEF7, lr;
	s5 =	simm.s32 $0xFFFFFFFF;
	p2 =	slt.u32 s8, $0xFFFFF086  }
0x1c: {  	p1 =	slt.u32 s9, $0xF7A;
	s5 =	simm.s32 @!p2 $0x0  }
0x1d: {  	s5 =	simm.s32 @p1 $0x1;
	p0 =	seq.s32 s7, s2  }
0x1e: {  	s7 =	smul.u32 @!p0 $0xF7A, s2;
	p2 =	seq.s32 @!p0 s5, $0x0  }
0x1f: {  	s9 =	smul.u32 $0xF7A, s1;
	s8 =	simm.s32 @!p0 $0x1BF5;
	p2 =	por !p2, p0  }
0x20: {  	[sflag:s8] =	ssyncset.s32 @!p0 $0xFFFFF086;
	s6 =	sadd.s32 @!p0 s3, s7;
	s7 =	simm.s32 @!p0 $0x108  }
0x21: {  	s3 =	sadd.s32 s3, s9;
	s6 =	sadd.s32 @!p0 $0x88, s6;
	s7 =	simm.s32 @p2 $0x1082  }
0x22: {  	[simem:s7], [sflag:s8] =	dma.local @!p0 [hbm:s6], $0xF7A  }
0x23: {  	s9 =	sor.u32 $0xD0000000, s2;
	s6 =	simm.s32 $0x108;
	_ =	swait.ge @!p0 [sflag:s8], $0x0  }
0x24: {  	s3 =	sadd.s32 $0x88, s3;
	s6 =	simm.s32 @!p1 $0x1082;
	[sflag:s4] =	ssyncset.s32 $0xFFFFF086  }
0x25: {  	[simem:s6], [sflag:s4] =	dma.local [hbm:s3], $0xF7A  }
0x26: {  	[smem:$0x3F9E] =	sst s1;
	(tag) =	ssettag s2;
	_ =	strace s9  }
0x27: {  	s1 =	sld [smem:$0x3FAE]  }
0x28: {  	s2 =	sld [smem:$0x3FAF]  }
0x29: {  	s4 =	sld [smem:$0x3FB1]  }
0x2a: {  	p0 =	seq.s32 s5, $0x0;
	s5 =	sld [smem:$0x3FB2]  }
0x2b: {  	s6 =	sld [smem:$0x3FB3]  }
0x2c: {  	s7 =	sld [smem:$0x3FB4]  }
0x2d: {  	s3 =	simm.s32 $0x108;
	s8 =	sld [smem:$0x3FB5]  }
0x2e: {  	s3 =	simm.s32 @!p0 $0x1082;
	s9 =	sld [smem:$0x3FB6]  }
0x2f: {  	lr =	sadd.s32 s0, s3;
	s0 =	sld [smem:$0x3FAD]  }
0x30: {  	s3 =	sld [smem:$0x3FB0]  }
0x31: {  	[smem:$0x3FB9] =	sst s10  }
0x32: {  	s10 =	sld [smem:$0x3FB7];
	_ =	sdelay $0x3  }
0x33: {  	p0 =	seq.s32 s10, $0x1;
	s10 =	sld [smem:$0x3FB9];
	_ =	sdelay $0x3  }
0x34: {  	[smem:$0x3FB9] =	sst s10  }
0x35: {  	s10 =	sld [smem:$0x3FB8];
	_ =	sdelay $0x3  }
0x36: {  	p1 =	seq.s32 s10, $0x1;
	s10 =	sld [smem:$0x3FB9];
	_ =	sdelay $0x3  }
0x37: {  	[smem:$0x3FB9] =	sst s10  }
0x38: {  	s10 =	sld [smem:$0x3FBA]  }
0x39: {  	_ = 	snop;
	(pc) =	sbr.ind lr, $3  }
0x3a: {  	_ = 	snop  }
0x3b: {  	_ = 	snop  }
0x3c: {  	p2 =	seq.s32 s10, $0x1;
	s10 =	sld [smem:$0x3FB9]  }
0x3d: {  	_ =	shalt  }
0x3e: {  	_ =	shalt  }
0x3f: {  	_ =	shalt  }
0x40: {  	_ =	shalt  }
0x41: {  	_ =	shalt  }
0x42: {  	_ =	shalt  }
0x43: {  	_ =	shalt  }
0x44: {  	_ =	shalt  }
0x45: {  	_ =	shalt  }
0x46: {  	_ =	shalt  }
0x47: {  	_ =	shalt  }
0x48: {  	_ =	shalt  }
0x49: {  	_ =	shalt  }
0x4a: {  	_ =	shalt  }
0x4b: {  	_ =	shalt  }
0x4c: {  	_ =	shalt  }
0x4d: {  	_ =	shalt  }
0x4e: {  	_ =	shalt  }
0x4f: {  	_ =	shalt  }
0x50: {  	_ =	shalt  }
0x51: {  	_ =	shalt  }
0x52: {  	_ =	shalt  }
0x53: {  	_ =	shalt  }
0x54: {  	_ =	shalt  }
0x55: {  	_ =	shalt  }
0x56: {  	_ =	shalt  }
0x57: {  	_ =	shalt  }
0x58: {  	_ =	shalt  }
0x59: {  	_ =	shalt  }
0x5a: {  	_ =	shalt  }
0x5b: {  	_ =	shalt  }
0x5c: {  	_ =	shalt  }
0x5d: {  	_ =	shalt  }
0x5e: {  	_ =	shalt  }
0x5f: {  	_ =	shalt  }
0x60: {  	_ =	shalt  }
0x61: {  	_ =	shalt  }
0x62: {  	_ =	shalt  }
0x63: {  	_ =	shalt  }
0x64: {  	_ =	shalt  }
0x65: {  	_ =	shalt  }
0x66: {  	_ =	shalt  }
0x67: {  	_ =	shalt  }
0x68: {  	_ =	shalt  }
0x69: {  	_ =	shalt  }
0x6a: {  	_ =	shalt  }
0x6b: {  	_ =	shalt  }
0x6c: {  	_ =	shalt  }
0x6d: {  	_ =	shalt  }
0x6e: {  	_ =	shalt  }
0x6f: {  	_ =	shalt  }
0x70: {  	_ =	shalt  }
0x71: {  	_ =	shalt  }
0x72: {  	_ =	shalt  }
0x73: {  	_ =	shalt  }
0x74: {  	_ =	shalt  }
0x75: {  	_ =	shalt  }
0x76: {  	_ =	shalt  }
0x77: {  	_ =	shalt  }
0x78: {  	_ =	shalt  }
0x79: {  	_ =	shalt  }
0x7a: {  	_ =	shalt  }
0x7b: {  	_ =	shalt  }
0x7c: {  	_ =	shalt  }
0x7d: {  	_ =	shalt  }
0x7e: {  	_ =	shalt  }
0x7f: {  	_ =	shalt  }
0x80: {  	_ =	shalt  }
0x81: {  	_ =	shalt  }
0x82: {  	_ =	shalt  }
0x83: {  	_ =	shalt  }
0x84: {  	_ =	shalt  }
0x85: {  	_ =	shalt  }
0x86: {  	_ =	shalt  }
0x87: {  	_ =	shalt  }
.Lfunc_end0:
.L_simem_size_0:
called_computation_lowered:
.L_overlay_start_0:
0x88: {  	s2 =	sld [smem:$0x3FD9]  }
0x89: {  	s3 =	sld [smem:$0x3FFE];
	_ =	sdelay $0x1  }
0x8a: {  	s1 =	srdreg.scid  }
0x8b: {  	s0 =	sand.u32 $0x1, s1  }
0x8c: {  	s17 =	sshll.u32 s0, $0xA;
	s2 =	sadd.s32 s3, s2  }
0x8d: {  	s2 =	sadd.s32 s2, s17  }
0x8e: {  	[smem:$0x3FC5] =	sst s2  }
0x8f: {  	_ = 	snop  }
0x90: {  	s2 =	sld [smem:$0x3FC9];
	(tm) =	ssettm $0x1  }
0x91: {  	s18 =	sld [smem:$0x3FFB];
	_ =	sdelay $0x3  }
0x92: {  	_ =	strace s18  }
0x93: {  	s3 =	sld [smem:$0x3FFC];
	_ =	sdelay $0x3  }
0x94: {  	_ =	strace s3  }
0x95: {  	s3 =	sld [smem:$0x3FFD];
	_ =	sdelay $0x3  }
0x96: {  	_ =	strace s3  }
0x97: {  	_ =	strace $0x8FFFFFFF  }
0x98: {  	s19 =	sld [smem:$0x3FDB];
	_ =	sdelay $0x1  }
0x99: {  	s4 =	simm.s32 $_scs_section_size  }
0x9a: {  	s5 =	simm.s32 $_size__tile_overlayer_lowered;
	s6 =	simm.s32 $_tile_overlayer_lowered  }
0x9b: {  	s22 =	simm.s32 $0x1BFF;
	s21 =	sshll.u32 s6, $0x1;
	s3 =	sadd.s32 s4, s19  }
0x9c: {  	s7 =	simm.s32 $0x0;
	s20 =	sshll.u32 s5, $0x1;
	s5 =	sadd.s32 s21, s3  }
0x9d: {  	[timem:s7], [sflag:s22] =	dma.local [hbm:s5], s20  }
0x9e: {  	_ =	swait.ge [sflag:s22], s20  }
0x9f: {  	s4 =	ssub.s32 $0x0, s20;
	[sflag:s22] =	ssyncset.done $0x0  }
0xa0: {  	[sflag:s22] =	ssyncadd.s32 s4;
	_ =	sdelay $0x1  }
0xa1: {  	s23 =	simm.s32 $0x1B8B  }
0xa2: {  	_ =	swait.ge [sflag:s23], $0x1  }
0xa3: {  	[sflag:s23] =	ssyncset.done $0x0  }
0xa4: {  	s25 =	simm.s32 $0x1B8E;
	s24 =	sld [smem:$0x3FFE];
	[sflag:s23] =	ssyncadd.s32 $0xFFFFFFFF  }
0xa5: {  	s26 =	simm.s32 $execute0_lowered;
	[smem:$0x3FD2] =	sst s25  }
0xa6: {  	s5 =	sshll.u32 s26, $0x1;
	_ =	strace $0x80000046;
	[dreg:$0x1] =	wrdreg $0xFFFFFFFF  }
0xa7: {  	s28 =	simm.s32 $_size_execute0_lowered;
	s3 =	sadd.s32 s3, s5;
	[dreg:$0x0] =	wrdreg $0x0  }
0xa8: {  	s5 =	sshll.u32 s28, $0x1;
	[dreg:$0x2] =	wrdreg s3  }
0xa9: {  	[dreg:$0x3] =	wrdreg s5  }
0xaa: {  	[dreg:$0x4] =	wrdreg $0xC0  }
0xab: {  	_ =	task [dreg:s7], $0x5FFFF  }
0xac: {  	[dreg:$0x1] =	wrdreg $0xFFFFFFFF  }
0xad: {  	[dreg:$0x0] =	wrdreg $0x60  }
0xae: {  	[dreg:$0x2] =	wrdreg s24  }
0xaf: {  	[dreg:$0x3] =	wrdreg s2  }
0xb0: {  	[dreg:$0x4] =	wrdreg $0x9  }
0xb1: {  	_ =	task.clear_ibuf [dreg:s7], $0x5FFFF;
	_ =	strace $0x90000046  }
0xb2: {  	s29 =	simm.s32 $0x9;
	_ =	strace $0x80000048  }
0xb3: {  	_ =	swait.ge [sflag:s29], $0x1  }
0xb4: {  	[sflag:s29] =	ssyncadd.s32 $0xFFFFFFFF  }
0xb5: {  	_ =	strace $0x90000048  }
0xb6: {  	_ =	sfence  }
0xb7: {  	s30 =	sld [smem:$0x0];
	_ =	sdelay $0x2  }
0xb8: {  	s31 =	sshll.u32 s1, $0xD;
	s1 =	sshrl.u32 s1, $0x2  }
0xb9: {  	s3 =	sand.u32 $0x4000, s31;
	s1 =	sadd.s32 s1, s30  }
0xba: {  	s0 =	sor.u32 s3, s0;
	s1 =	sshll.u32 s1, $0x11  }
0xbb: {  	s0 =	sor.u32 s1, s0  }
0xbc: {  	s0 =	sadd.s32 $0x8F2B, s0  }
0xbd: {  	[sflag:s0] =	ssyncadd.remote.s32 $0x1  }
0xbe: {  	_ =	sfence.sel $0xFFFF  }
0xbf: {  	[dreg:$0x0] =	wrdreg $0xFFFFFFFF;
	(pc) =	sbr.abs _section_cstart, $3  }
0xc0: {  	[dreg:$0x1] =	wrdreg $0xFFFFFFFF  }
0xc1: {  	_ =	task.clear_ibuf [dreg:s7], $0x2FFFF;
	_ =	strace $0x9FFFFFFF  }
0xc2: {  	(tm) =	ssettm $0x7FFFFFFF  }
0xc3: {  	_ =	shalt  }
tec
execute0_lowered:
.L_overlay_start_1:
0x0: {  	(tag) =	ssettag $0x1  }
0x1: {  	s1 =	srdreg.scid;
	s0 =	stileid.u32  }
0x2: {  	s24 =	rddreg [dreg:$0x0];
	s25 =	sand.u32 $0x1, s1;
	s30 =	sshll.u32 s0, $0x1  }
0x3: {  	s5 =	rddreg [dreg:$0x1];
	s26 =	sor.u32 s25, s30  }
0x4: {  	s2 =	simm.s32 $0x0;
	s1 =	rddreg [dreg:$0x2];
	s6 =	sshll.u32 s26, $0x6  }
0x5: {  	[smem:$0x7FF] =	sst s2;
	s3 =	sadd.s32 s6, s24  }
0x6: {  	_ =	strace $0x80000047;
	s4 =	sadd.s32 $0x1FA00, s3;
	s3 =	simm.s32 $0x2  }
0x7: {  	[tilespmem:s2], [sflag:$0x2] =	stream.linear.gather [hbm4b:s4+s2], $0x200, $0x38;
	[tilespmem:$0x810] =	vst v63  }
0x8: {  	_ =	swait.ge [sflag:s3], $0x200  }
0x9: {  	[sflag:s3] =	ssyncset.done $0x0  }
0xa: {  	s5 =	sadd.s32 s5, s6;
	s6 =	simm.s32 $0x200;
	[sflag:s3] =	ssyncadd.s32 $0xFFFFFE00  }
0xb: {  	[tilespmem:s6], [sflag:$0x2] =	stream.linear.gather [hbm4b:s5+s2], $0x200, $0x38;
	[tilespmem:$0x810] =	vst v63  }
0xc: {  	_ =	swait.ge [sflag:s3], $0x200  }
0xd: {  	s8 =	simm.s32 $0x80;
	[sflag:s3] =	ssyncset.done $0x0  }
0xe: {  	s9 =	simm.s32 $0x400;
	s7 =	sadd.s32 $0x1000, s24;
	[sflag:s3] =	ssyncadd.s32 $0xFFFFFE00  }
0xf: {  	[tilespmem:s9], [sflag:$0x1] =	stream.indirect.gather [hbm4b:s7+s8], $0x1, s2, s8, $0xb8;
	[tilespmem:$0x810] =	vst v63  }
0x10: {  	s11 =	simm.s32 $0x600;
	s10 =	sadd.s32 $0xE00, s24  }
0x11: {  	[tilespmem:s11], [sflag:$0x1] =	stream.indirect.gather [hbm4b:s10+s8], $0x1, s6, s8, $0xb8;
	[tilespmem:$0x810] =	vst v63  }
0x12: {  	s12 =	simm.s32 $0x480  }
0x13: {  	[tilespmem:s12], [sflag:$0x1] =	stream.indirect.gather [hbm4b:s7+s8], $0x1, s8, s8, $0xb8;
	[tilespmem:$0x810] =	vst v63  }
0x14: {  	s13 =	simm.s32 $0x280;
	s14 =	simm.s32 $0x680  }
0x15: {  	[tilespmem:s14], [sflag:$0x1] =	stream.indirect.gather [hbm4b:s10+s8], $0x1, s13, s8, $0xb8;
	[tilespmem:$0x810] =	vst v63  }
0x16: {  	s15 =	simm.s32 $0x100;
	s16 =	simm.s32 $0x500  }
0x17: {  	[tilespmem:s16], [sflag:$0x1] =	stream.indirect.gather [hbm4b:s7+s8], $0x1, s15, s8, $0xb8;
	[tilespmem:$0x810] =	vst v63  }
0x18: {  	s17 =	simm.s32 $0x300;
	s18 =	simm.s32 $0x700  }
0x19: {  	[tilespmem:s18], [sflag:$0x1] =	stream.indirect.gather [hbm4b:s10+s8], $0x1, s17, s8, $0xb8;
	[tilespmem:$0x810] =	vst v63  }
0x1a: {  	s19 =	simm.s32 $0x180;
	s20 =	simm.s32 $0x580  }
0x1b: {  	[tilespmem:s20], [sflag:$0x1] =	stream.indirect.gather [hbm4b:s7+s8], $0x1, s19, s8, $0xb8;
	[tilespmem:$0x810] =	vst v63  }
0x1c: {  	s21 =	simm.s32 $0x380;
	s22 =	simm.s32 $0x780;
	s23 =	simm.s32 $0x1  }
0x1d: {  	[tilespmem:s22], [sflag:$0x1] =	stream.indirect.gather [hbm4b:s10+s8], $0x1, s21, s8, $0xb8;
	[tilespmem:$0x810] =	vst v63  }
0x1e: {  	_ =	swait.ge [sflag:s23], $0x80  }
0x1f: {  	[sflag:s23] =	ssyncset.done $0x0  }
0x20: {  	[sflag:s23] =	ssyncadd.s32 $0xFFFFFF80  }
0x21: {  	_ =	swait.ge [sflag:s23], $0x80  }
0x22: {  	[sflag:s23] =	ssyncset.done $0x0  }
0x23: {  	[sflag:s23] =	ssyncadd.s32 $0xFFFFFF80  }
0x24: {  	_ =	swait.ge [sflag:s23], $0x80  }
0x25: {  	[sflag:s23] =	ssyncset.done $0x0  }
0x26: {  	[sflag:s23] =	ssyncadd.s32 $0xFFFFFF80  }
0x27: {  	_ =	swait.ge [sflag:s23], $0x80  }
0x28: {  	[sflag:s23] =	ssyncset.done $0x0  }
0x29: {  	[sflag:s23] =	ssyncadd.s32 $0xFFFFFF80  }
0x2a: {  	_ =	swait.ge [sflag:s23], $0x80  }
0x2b: {  	[sflag:s23] =	ssyncset.done $0x0  }
0x2c: {  	[sflag:s23] =	ssyncadd.s32 $0xFFFFFF80  }
0x2d: {  	_ =	swait.ge [sflag:s23], $0x80  }
0x2e: {  	[sflag:s23] =	ssyncset.done $0x0  }
0x2f: {  	[sflag:s23] =	ssyncadd.s32 $0xFFFFFF80  }
0x30: {  	_ =	swait.ge [sflag:s23], $0x80  }
0x31: {  	[sflag:s23] =	ssyncset.done $0x0  }
0x32: {  	[sflag:s23] =	ssyncadd.s32 $0xFFFFFF80  }
0x33: {  	_ =	swait.ge [sflag:s23], $0x80  }
0x34: {  	[sflag:s23] =	ssyncset.done $0x0  }
0x35: {  	[sflag:s23] =	ssyncadd.s32 $0xFFFFFF80  }
0x36: {  	v0 =	vld [tilespmem:$0x400]  }
0x37: {  	v1 =	vld [tilespmem:$0x600]  }
0x38: {  	v2 =	vld [tilespmem:$0x610]  }
0x39: {  	v3 =	vld [tilespmem:$0x410]  }
0x3a: {  	v4 =	vld [tilespmem:$0x420]  }
0x3b: {  	v5 =	vld [tilespmem:$0x620]  }
0x3c: {  	v6 =	vld [tilespmem:$0x430];
	v0 =	vsub.f32 v1, v0  }
0x3d: {  	v62 =	vld [tilespmem:$0x630]  }
0x3e: {  	v63 =	vld [tilespmem:$0x440];
	v2 =	vsub.f32 v2, v3;
	v0 =	vadd.f32 $0.0e+00, v0  }
0x3f: {  	v7 =	vld [tilespmem:$0x640]  }
0x40: {  	v9 =	vld [tilespmem:$0x450];
	v4 =	vsub.f32 v5, v4;
	v0 =	vadd.f32 v2, v0  }
0x41: {  	v10 =	vld [tilespmem:$0x650]  }
0x42: {  	v11 =	vld [tilespmem:$0x460];
	v1 =	vsub.f32 v62, v6;
	v0 =	vadd.f32 v4, v0  }
0x43: {  	v12 =	vld [tilespmem:$0x660]  }
0x44: {  	v13 =	vld [tilespmem:$0x470];
	v3 =	vsub.f32 v7, v63;
	v0 =	vadd.f32 v1, v0  }
0x45: {  	v14 =	vld [tilespmem:$0x670]  }
0x46: {  	v15 =	vld [tilespmem:$0x480];
	v2 =	vsub.f32 v10, v9;
	v0 =	vadd.f32 v3, v0  }
0x47: {  	v16 =	vld [tilespmem:$0x680]  }
0x48: {  	v17 =	vld [tilespmem:$0x490];
	v4 =	vsub.f32 v12, v11;
	v0 =	vadd.f32 v2, v0  }
0x49: {  	v18 =	vld [tilespmem:$0x690]  }
0x4a: {  	v19 =	vld [tilespmem:$0x4A0];
	v1 =	vsub.f32 v14, v13;
	v0 =	vadd.f32 v4, v0  }
0x4b: {  	v20 =	vld [tilespmem:$0x6A0]  }
0x4c: {  	v21 =	vld [tilespmem:$0x4B0];
	v3 =	vsub.f32 v16, v15;
	v0 =	vadd.f32 v1, v0  }
0x4d: {  	v22 =	vld [tilespmem:$0x6B0]  }
0x4e: {  	v23 =	vld [tilespmem:$0x4C0];
	v2 =	vsub.f32 v18, v17;
	v0 =	vadd.f32 v3, v0  }
0x4f: {  	v24 =	vld [tilespmem:$0x6C0]  }
0x50: {  	v25 =	vld [tilespmem:$0x4D0];
	v4 =	vsub.f32 v20, v19;
	v0 =	vadd.f32 v2, v0  }
0x51: {  	v26 =	vld [tilespmem:$0x6D0]  }
0x52: {  	v27 =	vld [tilespmem:$0x4E0];
	v1 =	vsub.f32 v22, v21;
	v0 =	vadd.f32 v4, v0  }
0x53: {  	v28 =	vld [tilespmem:$0x6E0]  }
0x54: {  	v29 =	vld [tilespmem:$0x4F0];
	v3 =	vsub.f32 v24, v23;
	v0 =	vadd.f32 v1, v0  }
0x55: {  	v30 =	vld [tilespmem:$0x6F0]  }
0x56: {  	v31 =	vld [tilespmem:$0x500];
	v2 =	vsub.f32 v26, v25;
	v0 =	vadd.f32 v3, v0  }
0x57: {  	v32 =	vld [tilespmem:$0x700]  }
0x58: {  	v33 =	vld [tilespmem:$0x510];
	v4 =	vsub.f32 v28, v27;
	v0 =	vadd.f32 v2, v0  }
0x59: {  	v34 =	vld [tilespmem:$0x710]  }
0x5a: {  	v35 =	vld [tilespmem:$0x520];
	v1 =	vsub.f32 v30, v29;
	v0 =	vadd.f32 v4, v0  }
0x5b: {  	v36 =	vld [tilespmem:$0x720]  }
0x5c: {  	v37 =	vld [tilespmem:$0x530];
	v3 =	vsub.f32 v32, v31;
	v0 =	vadd.f32 v1, v0  }
0x5d: {  	v38 =	vld [tilespmem:$0x730]  }
0x5e: {  	v39 =	vld [tilespmem:$0x540];
	v2 =	vsub.f32 v34, v33;
	v0 =	vadd.f32 v3, v0  }
0x5f: {  	v40 =	vld [tilespmem:$0x740]  }
0x60: {  	v41 =	vld [tilespmem:$0x550];
	v4 =	vsub.f32 v36, v35;
	v0 =	vadd.f32 v2, v0  }
0x61: {  	v42 =	vld [tilespmem:$0x750]  }
0x62: {  	v43 =	vld [tilespmem:$0x560];
	v1 =	vsub.f32 v38, v37;
	v0 =	vadd.f32 v4, v0  }
0x63: {  	v44 =	vld [tilespmem:$0x760]  }
0x64: {  	v45 =	vld [tilespmem:$0x570];
	v3 =	vsub.f32 v40, v39;
	v0 =	vadd.f32 v1, v0  }
0x65: {  	v46 =	vld [tilespmem:$0x770]  }
0x66: {  	v47 =	vld [tilespmem:$0x580];
	v2 =	vsub.f32 v42, v41;
	v0 =	vadd.f32 v3, v0  }
0x67: {  	v48 =	vld [tilespmem:$0x780]  }
0x68: {  	v49 =	vld [tilespmem:$0x590];
	v4 =	vsub.f32 v44, v43;
	v0 =	vadd.f32 v2, v0  }
0x69: {  	v50 =	vld [tilespmem:$0x790]  }
0x6a: {  	v51 =	vld [tilespmem:$0x5A0];
	v1 =	vsub.f32 v46, v45;
	v0 =	vadd.f32 v4, v0  }
0x6b: {  	v52 =	vld [tilespmem:$0x7A0]  }
0x6c: {  	v53 =	vld [tilespmem:$0x5B0];
	v3 =	vsub.f32 v48, v47;
	v0 =	vadd.f32 v1, v0  }
0x6d: {  	v54 =	vld [tilespmem:$0x7B0]  }
0x6e: {  	v55 =	vld [tilespmem:$0x5C0];
	v2 =	vsub.f32 v50, v49;
	v0 =	vadd.f32 v3, v0  }
0x6f: {  	v56 =	vld [tilespmem:$0x7C0]  }
0x70: {  	v57 =	vld [tilespmem:$0x5D0];
	v4 =	vsub.f32 v52, v51;
	v0 =	vadd.f32 v2, v0  }
0x71: {  	v58 =	vld [tilespmem:$0x7D0]  }
0x72: {  	v59 =	vld [tilespmem:$0x5E0];
	v1 =	vsub.f32 v54, v53;
	v0 =	vadd.f32 v4, v0  }
0x73: {  	v60 =	vld [tilespmem:$0x7E0]  }
0x74: {  	v61 =	vld [tilespmem:$0x5F0];
	v3 =	vsub.f32 v56, v55;
	v0 =	vadd.f32 v1, v0  }
0x75: {  	v62 =	vld [tilespmem:$0x7F0]  }
0x76: {  	s25 =	ssub.s32 $0x2, s25;
	v2 =	vsub.f32 v58, v57;
	v0 =	vadd.f32 v3, v0  }
0x77: {  	s28 =	sshrl.u32 s25, $0x1  }
0x78: {  	s25 =	ssub.s32 s25, s28;
	v63 =	vsub.f32 v60, v59;
	v0 =	vadd.f32 v2, v0  }
0x79: {  	s31 =	smax.u32 s25, $0x1  }
0x7a: {  	p0 =	sne.s32 s31, $0x1;
	v1 =	vsub.f32 v62, v61;
	v0 =	vadd.f32 v63, v0  }
.Ltmp0:
0x7b: {  	_ = 	snop;
	(pc) =	sbr.rel @!p0 .LBB2_2-.Ltmp0, $4  }
0x7c: {  	s26 =	sshll.u32 s26, $0x1;
	v0 =	vadd.f32 v1, v0  }
0x7d: {  	s24 =	sadd.s32 s26, s24  }
0x7e: {  	s24 =	sadd.s32 $0x20200, s24;
	s25 =	simm.s32 $0x800;
	s26 =	sadd.s32 $0xFFFFFFFF, s31;
	[tilespmem:$0x800] =	vst v0  }
0x7f: {  	[hbm4b:s24+s2] =	stream.linear.scatter [tilespmem:s25], [sflag:$0x2], $0x10, $0x38;
	[tilespmem:$0x810] =	vst v63  }
.LBB2_1:
0x80: {  	p0 =	sne.s32 s26, $0x1;
	s26 =	sadd.s32 $0xFFFFFFFF, s26;
	_ =	swait.ge [sflag:s3], $0x10  }
0x81: {  	[sflag:s3] =	ssyncset.done $0x0  }
0x82: {  	[sflag:s3] =	ssyncadd.s32 $0xFFFFFFF0  }
0x83: {  	[tilespmem:s2], [sflag:$0x2] =	stream.linear.gather [hbm4b:s4+s2], $0x200, $0x38;
	[tilespmem:$0x810] =	vst v63  }
0x84: {  	_ =	swait.ge [sflag:s3], $0x200  }
0x85: {  	[sflag:s3] =	ssyncset.done $0x0  }
0x86: {  	[sflag:s3] =	ssyncadd.s32 $0xFFFFFE00  }
0x87: {  	[tilespmem:s6], [sflag:$0x2] =	stream.linear.gather [hbm4b:s5+s2], $0x200, $0x38;
	[tilespmem:$0x810] =	vst v63  }
0x88: {  	_ =	swait.ge [sflag:s3], $0x200  }
0x89: {  	[sflag:s3] =	ssyncset.done $0x0  }
0x8a: {  	[sflag:s3] =	ssyncadd.s32 $0xFFFFFE00  }
0x8b: {  	[tilespmem:s9], [sflag:$0x1] =	stream.indirect.gather [hbm4b:s7+s8], $0x1, s2, s8, $0xb8;
	[tilespmem:$0x810] =	vst v63  }
0x8c: {  	_ = 	snop  }
0x8d: {  	[tilespmem:s11], [sflag:$0x1] =	stream.indirect.gather [hbm4b:s10+s8], $0x1, s6, s8, $0xb8;
	[tilespmem:$0x810] =	vst v63  }
0x8e: {  	_ = 	snop  }
0x8f: {  	[tilespmem:s12], [sflag:$0x1] =	stream.indirect.gather [hbm4b:s7+s8], $0x1, s8, s8, $0xb8;
	[tilespmem:$0x810] =	vst v63  }
0x90: {  	_ = 	snop  }
0x91: {  	[tilespmem:s14], [sflag:$0x1] =	stream.indirect.gather [hbm4b:s10+s8], $0x1, s13, s8, $0xb8;
	[tilespmem:$0x810] =	vst v63  }
0x92: {  	_ = 	snop  }
0x93: {  	[tilespmem:s16], [sflag:$0x1] =	stream.indirect.gather [hbm4b:s7+s8], $0x1, s15, s8, $0xb8;
	[tilespmem:$0x810] =	vst v63  }
0x94: {  	_ = 	snop  }
0x95: {  	[tilespmem:s18], [sflag:$0x1] =	stream.indirect.gather [hbm4b:s10+s8], $0x1, s17, s8, $0xb8;
	[tilespmem:$0x810] =	vst v63  }
0x96: {  	_ = 	snop  }
0x97: {  	[tilespmem:s20], [sflag:$0x1] =	stream.indirect.gather [hbm4b:s7+s8], $0x1, s19, s8, $0xb8;
	[tilespmem:$0x810] =	vst v63  }
0x98: {  	_ = 	snop  }
0x99: {  	[tilespmem:s22], [sflag:$0x1] =	stream.indirect.gather [hbm4b:s10+s8], $0x1, s21, s8, $0xb8;
	[tilespmem:$0x810] =	vst v63  }
0x9a: {  	_ =	swait.ge [sflag:s23], $0x80  }
0x9b: {  	[sflag:s23] =	ssyncset.done $0x0  }
0x9c: {  	[sflag:s23] =	ssyncadd.s32 $0xFFFFFF80  }
0x9d: {  	_ =	swait.ge [sflag:s23], $0x80  }
0x9e: {  	[sflag:s23] =	ssyncset.done $0x0  }
0x9f: {  	[sflag:s23] =	ssyncadd.s32 $0xFFFFFF80  }
0xa0: {  	_ =	swait.ge [sflag:s23], $0x80  }
0xa1: {  	[sflag:s23] =	ssyncset.done $0x0  }
0xa2: {  	[sflag:s23] =	ssyncadd.s32 $0xFFFFFF80  }
0xa3: {  	_ =	swait.ge [sflag:s23], $0x80  }
0xa4: {  	[sflag:s23] =	ssyncset.done $0x0  }
0xa5: {  	[sflag:s23] =	ssyncadd.s32 $0xFFFFFF80  }
0xa6: {  	_ =	swait.ge [sflag:s23], $0x80  }
0xa7: {  	[sflag:s23] =	ssyncset.done $0x0  }
0xa8: {  	[sflag:s23] =	ssyncadd.s32 $0xFFFFFF80  }
0xa9: {  	_ =	swait.ge [sflag:s23], $0x80  }
0xaa: {  	[sflag:s23] =	ssyncset.done $0x0  }
0xab: {  	[sflag:s23] =	ssyncadd.s32 $0xFFFFFF80  }
0xac: {  	_ =	swait.ge [sflag:s23], $0x80  }
0xad: {  	[sflag:s23] =	ssyncset.done $0x0  }
0xae: {  	[sflag:s23] =	ssyncadd.s32 $0xFFFFFF80  }
0xaf: {  	_ =	swait.ge [sflag:s23], $0x80  }
0xb0: {  	[sflag:s23] =	ssyncset.done $0x0  }
0xb1: {  	[sflag:s23] =	ssyncadd.s32 $0xFFFFFF80  }
0xb2: {  	v0 =	vld [tilespmem:$0x610]  }
0xb3: {  	v1 =	vld [tilespmem:$0x400]  }
0xb4: {  	v2 =	vld [tilespmem:$0x600]  }
0xb5: {  	v3 =	vld [tilespmem:$0x410]  }
0xb6: {  	v4 =	vld [tilespmem:$0x420]  }
0xb7: {  	v5 =	vld [tilespmem:$0x620]  }
0xb8: {  	v6 =	vld [tilespmem:$0x430]  }
0xb9: {  	v1 =	vsub.f32 v2, v1;
	v2 =	vld [tilespmem:$0x630]  }
0xba: {  	v0 =	vsub.f32 v0, v3;
	v3 =	vld [tilespmem:$0x440]  }
0xbb: {  	v1 =	vadd.f32 $0.0e+00, v1;
	v7 =	vld [tilespmem:$0x640]  }
0xbc: {  	v4 =	vsub.f32 v5, v4;
	v5 =	vld [tilespmem:$0x450]  }
0xbd: {  	v0 =	vadd.f32 v0, v1;
	v1 =	vld [tilespmem:$0x650]  }
0xbe: {  	v2 =	vsub.f32 v2, v6;
	v6 =	vld [tilespmem:$0x460]  }
0xbf: {  	v0 =	vadd.f32 v4, v0;
	v4 =	vld [tilespmem:$0x660]  }
0xc0: {  	v3 =	vsub.f32 v7, v3;
	v7 =	vld [tilespmem:$0x470]  }
0xc1: {  	v0 =	vadd.f32 v2, v0;
	v2 =	vld [tilespmem:$0x670]  }
0xc2: {  	v1 =	vsub.f32 v1, v5;
	v5 =	vld [tilespmem:$0x480]  }
0xc3: {  	v0 =	vadd.f32 v3, v0;
	v3 =	vld [tilespmem:$0x680]  }
0xc4: {  	v4 =	vsub.f32 v4, v6;
	v6 =	vld [tilespmem:$0x490]  }
0xc5: {  	v0 =	vadd.f32 v1, v0;
	v1 =	vld [tilespmem:$0x690]  }
0xc6: {  	v2 =	vsub.f32 v2, v7;
	v7 =	vld [tilespmem:$0x4A0]  }
0xc7: {  	v0 =	vadd.f32 v4, v0;
	v4 =	vld [tilespmem:$0x6A0]  }
0xc8: {  	v3 =	vsub.f32 v3, v5;
	v5 =	vld [tilespmem:$0x4B0]  }
0xc9: {  	v0 =	vadd.f32 v2, v0;
	v2 =	vld [tilespmem:$0x6B0]  }
0xca: {  	v1 =	vsub.f32 v1, v6;
	v6 =	vld [tilespmem:$0x4C0]  }
0xcb: {  	v0 =	vadd.f32 v3, v0;
	v3 =	vld [tilespmem:$0x6C0]  }
0xcc: {  	v4 =	vsub.f32 v4, v7;
	v7 =	vld [tilespmem:$0x4D0]  }
0xcd: {  	v0 =	vadd.f32 v1, v0;
	v1 =	vld [tilespmem:$0x6D0]  }
0xce: {  	v2 =	vsub.f32 v2, v5;
	v5 =	vld [tilespmem:$0x4E0]  }
0xcf: {  	v0 =	vadd.f32 v4, v0;
	v4 =	vld [tilespmem:$0x6E0]  }
0xd0: {  	v3 =	vsub.f32 v3, v6;
	v6 =	vld [tilespmem:$0x4F0]  }
0xd1: {  	v0 =	vadd.f32 v2, v0;
	v2 =	vld [tilespmem:$0x6F0]  }
0xd2: {  	v1 =	vsub.f32 v1, v7;
	v7 =	vld [tilespmem:$0x500]  }
0xd3: {  	v0 =	vadd.f32 v3, v0;
	v3 =	vld [tilespmem:$0x700]  }
0xd4: {  	v4 =	vsub.f32 v4, v5;
	v5 =	vld [tilespmem:$0x510]  }
0xd5: {  	v0 =	vadd.f32 v1, v0;
	v1 =	vld [tilespmem:$0x710]  }
0xd6: {  	v2 =	vsub.f32 v2, v6;
	v6 =	vld [tilespmem:$0x520]  }
0xd7: {  	v0 =	vadd.f32 v4, v0;
	v4 =	vld [tilespmem:$0x720]  }
0xd8: {  	v3 =	vsub.f32 v3, v7;
	v7 =	vld [tilespmem:$0x530]  }
0xd9: {  	v0 =	vadd.f32 v2, v0;
	v2 =	vld [tilespmem:$0x730]  }
0xda: {  	v1 =	vsub.f32 v1, v5;
	v5 =	vld [tilespmem:$0x540]  }
0xdb: {  	v0 =	vadd.f32 v3, v0;
	v3 =	vld [tilespmem:$0x740]  }
0xdc: {  	v4 =	vsub.f32 v4, v6;
	v6 =	vld [tilespmem:$0x550]  }
0xdd: {  	v0 =	vadd.f32 v1, v0;
	v1 =	vld [tilespmem:$0x750]  }
0xde: {  	v2 =	vsub.f32 v2, v7;
	v7 =	vld [tilespmem:$0x560]  }
0xdf: {  	v0 =	vadd.f32 v4, v0;
	v4 =	vld [tilespmem:$0x760]  }
0xe0: {  	v3 =	vsub.f32 v3, v5;
	v5 =	vld [tilespmem:$0x570]  }
0xe1: {  	v0 =	vadd.f32 v2, v0;
	v2 =	vld [tilespmem:$0x770]  }
0xe2: {  	v1 =	vsub.f32 v1, v6;
	v6 =	vld [tilespmem:$0x580]  }
0xe3: {  	v0 =	vadd.f32 v3, v0;
	v3 =	vld [tilespmem:$0x780]  }
0xe4: {  	v4 =	vsub.f32 v4, v7;
	v7 =	vld [tilespmem:$0x590]  }
0xe5: {  	v0 =	vadd.f32 v1, v0;
	v1 =	vld [tilespmem:$0x790]  }
0xe6: {  	v2 =	vsub.f32 v2, v5;
	v5 =	vld [tilespmem:$0x5A0]  }
0xe7: {  	v0 =	vadd.f32 v4, v0;
	v4 =	vld [tilespmem:$0x7A0]  }
0xe8: {  	v3 =	vsub.f32 v3, v6;
	v6 =	vld [tilespmem:$0x5B0]  }
0xe9: {  	v0 =	vadd.f32 v2, v0;
	v2 =	vld [tilespmem:$0x7B0]  }
0xea: {  	v1 =	vsub.f32 v1, v7;
	v7 =	vld [tilespmem:$0x5C0]  }
0xeb: {  	v0 =	vadd.f32 v3, v0;
	v3 =	vld [tilespmem:$0x7C0]  }
0xec: {  	v4 =	vsub.f32 v4, v5;
	v5 =	vld [tilespmem:$0x5D0]  }
0xed: {  	v0 =	vadd.f32 v1, v0;
	v1 =	vld [tilespmem:$0x7D0]  }
0xee: {  	v2 =	vsub.f32 v2, v6;
	v6 =	vld [tilespmem:$0x5E0]  }
0xef: {  	v0 =	vadd.f32 v4, v0;
	v4 =	vld [tilespmem:$0x7E0]  }
0xf0: {  	v3 =	vsub.f32 v3, v7;
	v7 =	vld [tilespmem:$0x5F0]  }
0xf1: {  	v0 =	vadd.f32 v2, v0;
	v2 =	vld [tilespmem:$0x7F0]  }
0xf2: {  	v1 =	vsub.f32 v1, v5  }
0xf3: {  	v0 =	vadd.f32 v3, v0  }
0xf4: {  	v3 =	vsub.f32 v4, v6  }
0xf5: {  	v0 =	vadd.f32 v1, v0  }
0xf6: {  	v1 =	vsub.f32 v2, v7  }
0xf7: {  	v0 =	vadd.f32 v3, v0  }
.Ltmp1:
0xf8: {  	(pc) =	sbr.rel @p0 .LBB2_1-.Ltmp1, $3  }
0xf9: {  	v0 =	vadd.f32 v1, v0;
	_ =	sdelay $0x1  }
0xfa: {  	[tilespmem:$0x800] =	vst v0  }
0xfb: {  	[hbm4b:s24+s2] =	stream.linear.scatter [tilespmem:s25], [sflag:$0x2], $0x10, $0x38;
	[tilespmem:$0x810] =	vst v63  }
.LBB2_2:
0xfc: {  	_ =	swait.ge [sflag:s3], $0x10  }
0xfd: {  	[sflag:s3] =	ssyncset.done $0x0  }
0xfe: {  	[sflag:s3] =	ssyncadd.s32 $0xFFFFFFF0  }
0xff: {  	_ =	sfence.sel $0x180000  }
0x100: {  	[bflag:$0x0] =	sbarrier.arrive $0xFFFF  }
0x101: {  	p0 =	sne.s32 s0, $0x0;
	_ =	strace $0x90000047  }
0x102: {  	s0 =	sadd.s32 @!p0 $0x100000, s1;
	[bflag:$0x2] =	sbarrier.arrive $0xFFFF  }
0x103: {  	[sflag:s0] =	ssyncadd.tile.s32 @!p0 $0x1;
	_ =	shalt  }
.Lfunc_end2:
_tile_overlayer_lowered:
.L_overlay_start_2:
0x104: {  	(tag) =	ssettag $0x2  }
0x105: {  	s0 =	rddreg [dreg:$0x0];
	s2 =	stileid.u32  }
0x106: {  	s1 =	rddreg [dreg:$0x1];
	p0 =	sne.s32 s2, $0x0  }
0x107: {  	s3 =	rddreg [dreg:$0x2];
	[bflag:$0x3] =	sbarrier.arrive $0xFFFF;
	s2 =	simm.s32 @!p0 $0x1C02  }
0x108: {  	[timem:s3], [sflag:s2] =	dma.local @!p0 [hbm:s0], s1  }
0x109: {  	s0 =	simm.s32 @!p0 $0x2  }
0x10a: {  	_ =	swait.ge @!p0 [sflag:s0], s1  }
0x10b: {  	s1 =	ssub.s32 @!p0 $0x0, s1;
	[sflag:s0] =	ssyncset.done @!p0 $0x0  }
0x10c: {  	[sflag:s0] =	ssyncadd.s32 @!p0 s1  }
0x10d: {  	[bflag:$0x3] =	sbarrier.arrive $0xFFFF  }
0x10e: {  	_ =	shalt  }

</sc_bundles>
